<compile_context>
chip_gen: v7x
topology: tpu7x:2x2x1
jax: 0.10.2.dev20260603
libtpu: 0.0.44.dev20260713+nightly
codegen_flags: <defaults>
</compile_context>

<pallas_src>
import functools
import math

import jax
import jax.numpy as jnp
from jax import lax
from jax.experimental import pallas as pl
from jax.experimental.pallas import tpu as pltpu
from jax.experimental.pallas import tpu_sc as plsc

_D = 128
_L = 16
_NC = 2
_NS = 16
_NW = _NC * _NS
_C = 128
_NBUF = 4
_SCALE = math.sqrt(float(_D))


@functools.partial(jax.jit, static_argnums=(2,))
def _lookup(x_flat, table, n_chunks):
    mesh = plsc.VectorSubcoreMesh(core_axis_name="c", subcore_axis_name="s")

    @functools.partial(
        pl.kernel,
        out_type=jax.ShapeDtypeStruct((_NW * n_chunks * _C, _D), jnp.float32),
        mesh=mesh,
        scratch_types=[
            pltpu.VMEM((n_chunks, _C), jnp.int32),
            *[pltpu.VMEM((_C, _D), jnp.float32) for _ in range(_NBUF)],
            *[pltpu.SemaphoreType.DMA for _ in range(2 * _NBUF)],
        ],
    )
    def k(x_hbm, tab_hbm, out_hbm, idx_v, *rest):
        bufs = rest[:_NBUF]
        in_sems = rest[_NBUF:2 * _NBUF]
        out_sems = rest[2 * _NBUF:]
        wid = lax.axis_index("s") * _NC + lax.axis_index("c")
        base0 = wid * n_chunks * _C

        pltpu.sync_copy(x_hbm.at[wid], idx_v)

        for b in range(_NBUF):
            pltpu.async_copy(tab_hbm.at[idx_v.at[b]], bufs[b], in_sems[b])

        def scale_buf(buf):
            @plsc.parallel_loop(0, _C, unroll=4)
            def _(r):
                for j in range(_D // _L):
                    sl = (r, pl.ds(j * _L, _L))
                    buf[sl] = buf[sl] * _SCALE

        def outer(t, _):
            gg = t * _NBUF
            for b in range(_NBUF):
                g = gg + b
                pltpu.make_async_copy(
                    tab_hbm.at[idx_v.at[g]], bufs[b], in_sems[b]).wait()
                scale_buf(bufs[b])
                pltpu.async_copy(
                    bufs[b], out_hbm.at[pl.ds(base0 + g * _C, _C)],
                    out_sems[b])
                pb = (b - 1) % _NBUF
                pg = g + _NBUF - 1

                @pl.when(jnp.logical_and(g >= 1, pg < n_chunks))
                def _():
                    prow = base0 + (pg - _NBUF) * _C
                    pltpu.make_async_copy(
                        bufs[pb], out_hbm.at[pl.ds(prow, _C)],
                        out_sems[pb]).wait()
                    pltpu.async_copy(
                        tab_hbm.at[idx_v.at[pg]], bufs[pb], in_sems[pb])
            return 0

        lax.fori_loop(0, n_chunks // _NBUF, outer, 0)

        for b in range(_NBUF):
            g = n_chunks - _NBUF + b
            pltpu.make_async_copy(
                bufs[b], out_hbm.at[pl.ds(base0 + g * _C, _C)],
                out_sems[b]).wait()

    return k(x_flat, table)


def kernel(x, table):
    b, h = x.shape
    n = b * h
    assert n % (_NW * _C * _NBUF) == 0
    n_chunks = n // (_NW * _C)
    x_r = x.astype(jnp.int32).reshape(_NW, n_chunks, _C)
    out = _lookup(x_r, table, n_chunks)
    return out.reshape(b, h, _D)

# --- scband reference (transcript-rebuilt; emitter-appended) ---
"""Pipeline reference for scband-input-embeddings-11046655885789 (READ-ONLY COPY).

The authoritative reference and input builder live on the scoring server;
editing this copy changes nothing except your own understanding.
"""

import jax, jax.numpy as jnp
import numpy as np
import math

D_EMBED = 128
VOCAB_SIZE = 1000000
BATCH = 4096
HIST = 200

def setup_inputs(seed: int = 0) -> dict:
    key = jax.random.key(seed)
    k1, k2 = jax.random.split(key)
    x = jax.random.randint(k1, (BATCH, HIST), 0, VOCAB_SIZE, dtype=jnp.int64 if jax.config.jax_enable_x64 else jnp.int32)
    table = jax.random.normal(k2, (VOCAB_SIZE, D_EMBED), dtype=jnp.float32)
    return {"x": x, "table": table}

def reference(x, table):
    # nn.Embedding lookup followed by sqrt(d_embed) scaling
    emb = jnp.take(table, x, axis=0)
    return emb * math.sqrt(D_EMBED)

if __name__ == "__main__":
    import jax
    _d = setup_inputs()
    print(jax.jit(kernel)(*tuple(_d.values())))

</pallas_src>

<mosaic_0001>
#map = affine_map<(d0, d1) -> (0, 0, 0)>
#map1 = affine_map<(d0, d1) -> (0, 0)>
module attributes {stable_mosaic.version = 14 : i64} {
  func.func @k(%arg0: i32, %arg1: i32, %arg2: memref<32x200x128xi32, #tpu.memory_space<hbm>>, %arg3: memref<1000000x128xf32, #tpu.memory_space<hbm>>, %arg4: memref<819200x128xf32, #tpu.memory_space<hbm>>, %arg5: memref<200x128xi32, #tpu.memory_space<vmem>>, %arg6: memref<128x128xf32, #tpu.memory_space<vmem>>, %arg7: memref<128x128xf32, #tpu.memory_space<vmem>>, %arg8: memref<128x128xf32, #tpu.memory_space<vmem>>, %arg9: memref<128x128xf32, #tpu.memory_space<vmem>>, %arg10: memref<!tpu.dma_semaphore, #tpu.memory_space<semaphore_mem>>, %arg11: memref<!tpu.dma_semaphore, #tpu.memory_space<semaphore_mem>>, %arg12: memref<!tpu.dma_semaphore, #tpu.memory_space<semaphore_mem>>, %arg13: memref<!tpu.dma_semaphore, #tpu.memory_space<semaphore_mem>>, %arg14: memref<!tpu.dma_semaphore, #tpu.memory_space<semaphore_mem>>, %arg15: memref<!tpu.dma_semaphore, #tpu.memory_space<semaphore_mem>>, %arg16: memref<!tpu.dma_semaphore, #tpu.memory_space<semaphore_mem>>, %arg17: memref<!tpu.dma_semaphore, #tpu.memory_space<semaphore_mem>>) attributes {dimension_semantics = [#tpu.dimension_semantics<core_parallel>, #tpu.dimension_semantics<subcore_parallel>], iteration_bounds = array<i64: 2, 16>, scalar_prefetch = 0 : i64, scratch_operands = 13 : i64, tpu.core_type = #tpu.core_type<sc_vector_subcore>, window_params = [{transform_indices = #map}, {transform_indices = #map1}, {transform_indices = #map1}]} {
    %mul3A = arith.constant 2 : i32
    %mul3A_0 = arith.muli %arg1, %mul3A : i32
    %add3A = arith.addi %mul3A_0, %arg0 : i32
    %mul3A_1 = arith.constant 200 : i32
    %mul3A_2 = arith.muli %add3A, %mul3A_1 : i32
    %mul3A_3 = arith.constant 128 : i32
    %mul3A_4 = arith.muli %mul3A_2, %mul3A_3 : i32
    "tpu.region"() ({
      %run_scoped3A = tpu.sem_alloc : memref<!tpu.dma_semaphore, #tpu.memory_space<semaphore_mem>>
      %dma_start3A_61 = arith.constant 0 : i32
      %dma_start3A_62 = arith.constant 0 : i32
      %dma_start3A_63 = tpu.memref_slice %arg2[%add3A, %dma_start3A_61, %dma_start3A_62] : memref<32x200x128xi32, #tpu.memory_space<hbm>> -> memref<1x200x128xi32, #tpu.memory_space<hbm>>
      %dma_start3A_64 = tpu.memref_squeeze %dma_start3A_63 : memref<1x200x128xi32, #tpu.memory_space<hbm>> -> memref<200x128xi32, #tpu.memory_space<hbm>>
      %dma_start3A_65 = arith.constant 0 : i32
      %dma_start3A_66 = arith.constant 0 : i32
      %dma_start3A_67 = tpu.memref_slice %arg2[%add3A, %dma_start3A_65, %dma_start3A_66] : memref<32x200x128xi32, #tpu.memory_space<hbm>> -> memref<1x200x128xi32, #tpu.memory_space<hbm>>
      %dma_start3A_68 = tpu.memref_squeeze %dma_start3A_67 : memref<1x200x128xi32, #tpu.memory_space<hbm>> -> memref<200x128xi32, #tpu.memory_space<hbm>>
      tpu.enqueue_dma source(%dma_start3A_68 : memref<200x128xi32, #tpu.memory_space<hbm>>) target(%arg5 : memref<200x128xi32, #tpu.memory_space<vmem>>) target_semaphore(%run_scoped3A : memref<!tpu.dma_semaphore, #tpu.memory_space<semaphore_mem>>)
      %dma_wait3A_69 = arith.constant 0 : i32
      %dma_wait3A_70 = arith.constant 0 : i32
      %dma_wait3A_71 = tpu.memref_slice %arg2[%add3A, %dma_wait3A_69, %dma_wait3A_70] : memref<32x200x128xi32, #tpu.memory_space<hbm>> -> memref<1x200x128xi32, #tpu.memory_space<hbm>>
      %dma_wait3A_72 = tpu.memref_squeeze %dma_wait3A_71 : memref<1x200x128xi32, #tpu.memory_space<hbm>> -> memref<200x128xi32, #tpu.memory_space<hbm>>
      %dma_wait3A_73 = arith.constant 0 : i32
      %dma_wait3A_74 = arith.constant 0 : i32
      %dma_wait3A_75 = tpu.memref_slice %arg2[%add3A, %dma_wait3A_73, %dma_wait3A_74] : memref<32x200x128xi32, #tpu.memory_space<hbm>> -> memref<1x200x128xi32, #tpu.memory_space<hbm>>
      %dma_wait3A_76 = tpu.memref_squeeze %dma_wait3A_75 : memref<1x200x128xi32, #tpu.memory_space<hbm>> -> memref<200x128xi32, #tpu.memory_space<hbm>>
      tpu.wait_dma2 semaphore(%run_scoped3A : memref<!tpu.dma_semaphore, #tpu.memory_space<semaphore_mem>>) src(%dma_wait3A_76 : memref<200x128xi32, #tpu.memory_space<hbm>>) dst(%arg5 : memref<200x128xi32, #tpu.memory_space<vmem>>)
      tpu.yield
    }) : () -> ()
    %dma_start3A = arith.constant 0 : i32
    %dma_start3A_5 = arith.constant 0 : i32
    %dma_start3A_6 = tpu.memref_slice %arg5[%dma_start3A, %dma_start3A_5] : memref<200x128xi32, #tpu.memory_space<vmem>> -> memref<1x128xi32, #tpu.memory_space<vmem>>
    %dma_start3A_7 = tpu.memref_squeeze %dma_start3A_6 : memref<1x128xi32, #tpu.memory_space<vmem>> -> memref<128xi32, #tpu.memory_space<vmem>>
    %dma_start3A_8 = arith.constant 0 : i32
    %dma_start3A_9 = arith.constant 0 : i32
    %dma_start3A_10 = tpu.memref_slice %arg3[%dma_start3A_8, %dma_start3A_9] : memref<1000000x128xf32, #tpu.memory_space<hbm>> -> memref<1000000x128xf32, #tpu.memory_space<hbm>>
    tpu.enqueue_indirect_dma source(%dma_start3A_10 : memref<1000000x128xf32, #tpu.memory_space<hbm>>) target(%arg6 : memref<128x128xf32, #tpu.memory_space<vmem>>) offsets(%dma_start3A_7 : memref<128xi32, #tpu.memory_space<vmem>>) semaphore(%arg10 : memref<!tpu.dma_semaphore, #tpu.memory_space<semaphore_mem>>)
    %dma_start3A_11 = arith.constant 1 : i32
    %dma_start3A_12 = arith.constant 0 : i32
    %dma_start3A_13 = tpu.memref_slice %arg5[%dma_start3A_11, %dma_start3A_12] : memref<200x128xi32, #tpu.memory_space<vmem>> -> memref<1x128xi32, #tpu.memory_space<vmem>>
    %dma_start3A_14 = tpu.memref_squeeze %dma_start3A_13 : memref<1x128xi32, #tpu.memory_space<vmem>> -> memref<128xi32, #tpu.memory_space<vmem>>
    %dma_start3A_15 = arith.constant 0 : i32
    %dma_start3A_16 = arith.constant 0 : i32
    %dma_start3A_17 = tpu.memref_slice %arg3[%dma_start3A_15, %dma_start3A_16] : memref<1000000x128xf32, #tpu.memory_space<hbm>> -> memref<1000000x128xf32, #tpu.memory_space<hbm>>
    tpu.enqueue_indirect_dma source(%dma_start3A_17 : memref<1000000x128xf32, #tpu.memory_space<hbm>>) target(%arg7 : memref<128x128xf32, #tpu.memory_space<vmem>>) offsets(%dma_start3A_14 : memref<128xi32, #tpu.memory_space<vmem>>) semaphore(%arg11 : memref<!tpu.dma_semaphore, #tpu.memory_space<semaphore_mem>>)
    %dma_start3A_18 = arith.constant 2 : i32
    %dma_start3A_19 = arith.constant 0 : i32
    %dma_start3A_20 = tpu.memref_slice %arg5[%dma_start3A_18, %dma_start3A_19] : memref<200x128xi32, #tpu.memory_space<vmem>> -> memref<1x128xi32, #tpu.memory_space<vmem>>
    %dma_start3A_21 = tpu.memref_squeeze %dma_start3A_20 : memref<1x128xi32, #tpu.memory_space<vmem>> -> memref<128xi32, #tpu.memory_space<vmem>>
    %dma_start3A_22 = arith.constant 0 : i32
    %dma_start3A_23 = arith.constant 0 : i32
    %dma_start3A_24 = tpu.memref_slice %arg3[%dma_start3A_22, %dma_start3A_23] : memref<1000000x128xf32, #tpu.memory_space<hbm>> -> memref<1000000x128xf32, #tpu.memory_space<hbm>>
    tpu.enqueue_indirect_dma source(%dma_start3A_24 : memref<1000000x128xf32, #tpu.memory_space<hbm>>) target(%arg8 : memref<128x128xf32, #tpu.memory_space<vmem>>) offsets(%dma_start3A_21 : memref<128xi32, #tpu.memory_space<vmem>>) semaphore(%arg12 : memref<!tpu.dma_semaphore, #tpu.memory_space<semaphore_mem>>)
    %dma_start3A_25 = arith.constant 3 : i32
    %dma_start3A_26 = arith.constant 0 : i32
    %dma_start3A_27 = tpu.memref_slice %arg5[%dma_start3A_25, %dma_start3A_26] : memref<200x128xi32, #tpu.memory_space<vmem>> -> memref<1x128xi32, #tpu.memory_space<vmem>>
    %dma_start3A_28 = tpu.memref_squeeze %dma_start3A_27 : memref<1x128xi32, #tpu.memory_space<vmem>> -> memref<128xi32, #tpu.memory_space<vmem>>
    %dma_start3A_29 = arith.constant 0 : i32
    %dma_start3A_30 = arith.constant 0 : i32
    %dma_start3A_31 = tpu.memref_slice %arg3[%dma_start3A_29, %dma_start3A_30] : memref<1000000x128xf32, #tpu.memory_space<hbm>> -> memref<1000000x128xf32, #tpu.memory_space<hbm>>
    tpu.enqueue_indirect_dma source(%dma_start3A_31 : memref<1000000x128xf32, #tpu.memory_space<hbm>>) target(%arg9 : memref<128x128xf32, #tpu.memory_space<vmem>>) offsets(%dma_start3A_28 : memref<128xi32, #tpu.memory_space<vmem>>) semaphore(%arg13 : memref<!tpu.dma_semaphore, #tpu.memory_space<semaphore_mem>>)
    %scan3A = arith.constant 0 : i32
    %scan3A_32 = arith.constant 0 : i32
    %scan3A_33 = arith.constant 50 : i32
    %scan3A_34 = arith.addi %scan3A_32, %scan3A_33 : i32
    %scan3A_35 = arith.constant 1 : i32
    %scan3A_36 = scf.for %scan3A_61 = %scan3A_32 to %scan3A_34 step %scan3A_35 iter_args(%scan3A_62 = %scan3A) -> (i32)  : i32 {
      %mul3A_63 = arith.constant 4 : i32
      %mul3A_64 = arith.muli %scan3A_61, %mul3A_63 : i32
      %add3A_65 = arith.constant 0 : i32
      %add3A_66 = arith.addi %mul3A_64, %add3A_65 : i32
      %dma_wait3A_67 = arith.constant 0 : i32
      %dma_wait3A_68 = tpu.memref_slice %arg5[%add3A_66, %dma_wait3A_67] : memref<200x128xi32, #tpu.memory_space<vmem>> -> memref<1x128xi32, #tpu.memory_space<vmem>>
      %dma_wait3A_69 = tpu.memref_squeeze %dma_wait3A_68 : memref<1x128xi32, #tpu.memory_space<vmem>> -> memref<128xi32, #tpu.memory_space<vmem>>
      %dma_wait3A_70 = arith.constant 0 : i32
      %dma_wait3A_71 = arith.constant 0 : i32
      %dma_wait3A_72 = tpu.memref_slice %arg3[%dma_wait3A_70, %dma_wait3A_71] : memref<1000000x128xf32, #tpu.memory_space<hbm>> -> memref<1000000x128xf32, #tpu.memory_space<hbm>>
      tpu.wait_indirect_dma semaphore(%arg10 : memref<!tpu.dma_semaphore, #tpu.memory_space<semaphore_mem>>) src(%dma_wait3A_72 : memref<1000000x128xf32, #tpu.memory_space<hbm>>) dst(%arg6 : memref<128x128xf32, #tpu.memory_space<vmem>>)
      %parallel_loop3A = arith.constant 0 : i32
      %parallel_loop3A_73 = arith.constant 128 : i32
      %parallel_loop3A_74 = arith.constant 1 : i32
      scf.for %parallel_loop3A_179 = %parallel_loop3A to %parallel_loop3A_73 step %parallel_loop3A_74  : i32 {
        %parallel_loop3A_180 = arith.index_cast %parallel_loop3A_179 : i32 to index
        %parallel_loop3A_181 = arith.constant 0 : index
        %parallel_loop3A_182 = tpu.vector_load %arg6[%parallel_loop3A_180, %parallel_loop3A_181] {strides = array<i32>} : memref<128x128xf32, #tpu.memory_space<vmem>>, vector<1x16xf32>,
        %parallel_loop3A_183 = vector.shape_cast %parallel_loop3A_182 : vector<1x16xf32> to vector<16xf32>
        %parallel_loop3A_184 = arith.constant 11.3137083 : f32
        %parallel_loop3A_185 = vector.broadcast %parallel_loop3A_184 : f32 to vector<16xf32>
        %parallel_loop3A_186 = arith.mulf %parallel_loop3A_183, %parallel_loop3A_185 : vector<16xf32>
        %parallel_loop3A_187 = arith.index_cast %parallel_loop3A_179 : i32 to index
        %parallel_loop3A_188 = arith.constant 0 : index
        %parallel_loop3A_189 = tpu.vector_load %arg6[%parallel_loop3A_187, %parallel_loop3A_188] {strides = array<i32>} : memref<128x128xf32, #tpu.memory_space<vmem>>, vector<1x16xf32>,
        %parallel_loop3A_190 = vector.shape_cast %parallel_loop3A_189 : vector<1x16xf32> to vector<16xf32>
        %parallel_loop3A_191 = vector.shape_cast %parallel_loop3A_186 : vector<16xf32> to vector<1x16xf32>
        tpu.vector_store %arg6[%parallel_loop3A_187, %parallel_loop3A_188], %parallel_loop3A_191 {strides = array<i32>} : memref<128x128xf32, #tpu.memory_space<vmem>>, vector<1x16xf32>,
        %parallel_loop3A_192 = arith.index_cast %parallel_loop3A_179 : i32 to index
        %parallel_loop3A_193 = arith.constant 16 : index
        %parallel_loop3A_194 = tpu.vector_load %arg6[%parallel_loop3A_192, %parallel_loop3A_193] {strides = array<i32>} : memref<128x128xf32, #tpu.memory_space<vmem>>, vector<1x16xf32>,
        %parallel_loop3A_195 = vector.shape_cast %parallel_loop3A_194 : vector<1x16xf32> to vector<16xf32>
        %parallel_loop3A_196 = arith.constant 11.3137083 : f32
        %parallel_loop3A_197 = vector.broadcast %parallel_loop3A_196 : f32 to vector<16xf32>
        %parallel_loop3A_198 = arith.mulf %parallel_loop3A_195, %parallel_loop3A_197 : vector<16xf32>
        %parallel_loop3A_199 = arith.index_cast %parallel_loop3A_179 : i32 to index
        %parallel_loop3A_200 = arith.constant 16 : index
        %parallel_loop3A_201 = tpu.vector_load %arg6[%parallel_loop3A_199, %parallel_loop3A_200] {strides = array<i32>} : memref<128x128xf32, #tpu.memory_space<vmem>>, vector<1x16xf32>,
        %parallel_loop3A_202 = vector.shape_cast %parallel_loop3A_201 : vector<1x16xf32> to vector<16xf32>
        %parallel_loop3A_203 = vector.shape_cast %parallel_loop3A_198 : vector<16xf32> to vector<1x16xf32>
        tpu.vector_store %arg6[%parallel_loop3A_199, %parallel_loop3A_200], %parallel_loop3A_203 {strides = array<i32>} : memref<128x128xf32, #tpu.memory_space<vmem>>, vector<1x16xf32>,
        %parallel_loop3A_204 = arith.index_cast %parallel_loop3A_179 : i32 to index
        %parallel_loop3A_205 = arith.constant 32 : index
        %parallel_loop3A_206 = tpu.vector_load %arg6[%parallel_loop3A_204, %parallel_loop3A_205] {strides = array<i32>} : memref<128x128xf32, #tpu.memory_space<vmem>>, vector<1x16xf32>,
        %parallel_loop3A_207 = vector.shape_cast %parallel_loop3A_206 : vector<1x16xf32> to vector<16xf32>
        %parallel_loop3A_208 = arith.constant 11.3137083 : f32
        %parallel_loop3A_209 = vector.broadcast %parallel_loop3A_208 : f32 to vector<16xf32>
        %parallel_loop3A_210 = arith.mulf %parallel_loop3A_207, %parallel_loop3A_209 : vector<16xf32>
        %parallel_loop3A_211 = arith.index_cast %parallel_loop3A_179 : i32 to index
        %parallel_loop3A_212 = arith.constant 32 : index
        %parallel_loop3A_213 = tpu.vector_load %arg6[%parallel_loop3A_211, %parallel_loop3A_212] {strides = array<i32>} : memref<128x128xf32, #tpu.memory_space<vmem>>, vector<1x16xf32>,
        %parallel_loop3A_214 = vector.shape_cast %parallel_loop3A_213 : vector<1x16xf32> to vector<16xf32>
        %parallel_loop3A_215 = vector.shape_cast %parallel_loop3A_210 : vector<16xf32> to vector<1x16xf32>
        tpu.vector_store %arg6[%parallel_loop3A_211, %parallel_loop3A_212], %parallel_loop3A_215 {strides = array<i32>} : memref<128x128xf32, #tpu.memory_space<vmem>>, vector<1x16xf32>,
        %parallel_loop3A_216 = arith.index_cast %parallel_loop3A_179 : i32 to index
        %parallel_loop3A_217 = arith.constant 48 : index
        %parallel_loop3A_218 = tpu.vector_load %arg6[%parallel_loop3A_216, %parallel_loop3A_217] {strides = array<i32>} : memref<128x128xf32, #tpu.memory_space<vmem>>, vector<1x16xf32>,
        %parallel_loop3A_219 = vector.shape_cast %parallel_loop3A_218 : vector<1x16xf32> to vector<16xf32>
        %parallel_loop3A_220 = arith.constant 11.3137083 : f32
        %parallel_loop3A_221 = vector.broadcast %parallel_loop3A_220 : f32 to vector<16xf32>
        %parallel_loop3A_222 = arith.mulf %parallel_loop3A_219, %parallel_loop3A_221 : vector<16xf32>
        %parallel_loop3A_223 = arith.index_cast %parallel_loop3A_179 : i32 to index
        %parallel_loop3A_224 = arith.constant 48 : index
        %parallel_loop3A_225 = tpu.vector_load %arg6[%parallel_loop3A_223, %parallel_loop3A_224] {strides = array<i32>} : memref<128x128xf32, #tpu.memory_space<vmem>>, vector<1x16xf32>,
        %parallel_loop3A_226 = vector.shape_cast %parallel_loop3A_225 : vector<1x16xf32> to vector<16xf32>
        %parallel_loop3A_227 = vector.shape_cast %parallel_loop3A_222 : vector<16xf32> to vector<1x16xf32>
        tpu.vector_store %arg6[%parallel_loop3A_223, %parallel_loop3A_224], %parallel_loop3A_227 {strides = array<i32>} : memref<128x128xf32, #tpu.memory_space<vmem>>, vector<1x16xf32>,
        %parallel_loop3A_228 = arith.index_cast %parallel_loop3A_179 : i32 to index
        %parallel_loop3A_229 = arith.constant 64 : index
        %parallel_loop3A_230 = tpu.vector_load %arg6[%parallel_loop3A_228, %parallel_loop3A_229] {strides = array<i32>} : memref<128x128xf32, #tpu.memory_space<vmem>>, vector<1x16xf32>,
        %parallel_loop3A_231 = vector.shape_cast %parallel_loop3A_230 : vector<1x16xf32> to vector<16xf32>
        %parallel_loop3A_232 = arith.constant 11.3137083 : f32
        %parallel_loop3A_233 = vector.broadcast %parallel_loop3A_232 : f32 to vector<16xf32>
        %parallel_loop3A_234 = arith.mulf %parallel_loop3A_231, %parallel_loop3A_233 : vector<16xf32>
        %parallel_loop3A_235 = arith.index_cast %parallel_loop3A_179 : i32 to index
        %parallel_loop3A_236 = arith.constant 64 : index
        %parallel_loop3A_237 = tpu.vector_load %arg6[%parallel_loop3A_235, %parallel_loop3A_236] {strides = array<i32>} : memref<128x128xf32, #tpu.memory_space<vmem>>, vector<1x16xf32>,
        %parallel_loop3A_238 = vector.shape_cast %parallel_loop3A_237 : vector<1x16xf32> to vector<16xf32>
        %parallel_loop3A_239 = vector.shape_cast %parallel_loop3A_234 : vector<16xf32> to vector<1x16xf32>
        tpu.vector_store %arg6[%parallel_loop3A_235, %parallel_loop3A_236], %parallel_loop3A_239 {strides = array<i32>} : memref<128x128xf32, #tpu.memory_space<vmem>>, vector<1x16xf32>,
        %parallel_loop3A_240 = arith.index_cast %parallel_loop3A_179 : i32 to index
        %parallel_loop3A_241 = arith.constant 80 : index
        %parallel_loop3A_242 = tpu.vector_load %arg6[%parallel_loop3A_240, %parallel_loop3A_241] {strides = array<i32>} : memref<128x128xf32, #tpu.memory_space<vmem>>, vector<1x16xf32>,
        %parallel_loop3A_243 = vector.shape_cast %parallel_loop3A_242 : vector<1x16xf32> to vector<16xf32>
        %parallel_loop3A_244 = arith.constant 11.3137083 : f32
        %parallel_loop3A_245 = vector.broadcast %parallel_loop3A_244 : f32 to vector<16xf32>
        %parallel_loop3A_246 = arith.mulf %parallel_loop3A_243, %parallel_loop3A_245 : vector<16xf32>
        %parallel_loop3A_247 = arith.index_cast %parallel_loop3A_179 : i32 to index
        %parallel_loop3A_248 = arith.constant 80 : index
        %parallel_loop3A_249 = tpu.vector_load %arg6[%parallel_loop3A_247, %parallel_loop3A_248] {strides = array<i32>} : memref<128x128xf32, #tpu.memory_space<vmem>>, vector<1x16xf32>,
        %parallel_loop3A_250 = vector.shape_cast %parallel_loop3A_249 : vector<1x16xf32> to vector<16xf32>
        %parallel_loop3A_251 = vector.shape_cast %parallel_loop3A_246 : vector<16xf32> to vector<1x16xf32>
        tpu.vector_store %arg6[%parallel_loop3A_247, %parallel_loop3A_248], %parallel_loop3A_251 {strides = array<i32>} : memref<128x128xf32, #tpu.memory_space<vmem>>, vector<1x16xf32>,
        %parallel_loop3A_252 = arith.index_cast %parallel_loop3A_179 : i32 to index
        %parallel_loop3A_253 = arith.constant 96 : index
        %parallel_loop3A_254 = tpu.vector_load %arg6[%parallel_loop3A_252, %parallel_loop3A_253] {strides = array<i32>} : memref<128x128xf32, #tpu.memory_space<vmem>>, vector<1x16xf32>,
        %parallel_loop3A_255 = vector.shape_cast %parallel_loop3A_254 : vector<1x16xf32> to vector<16xf32>
        %parallel_loop3A_256 = arith.constant 11.3137083 : f32
        %parallel_loop3A_257 = vector.broadcast %parallel_loop3A_256 : f32 to vector<16xf32>
        %parallel_loop3A_258 = arith.mulf %parallel_loop3A_255, %parallel_loop3A_257 : vector<16xf32>
        %parallel_loop3A_259 = arith.index_cast %parallel_loop3A_179 : i32 to index
        %parallel_loop3A_260 = arith.constant 96 : index
        %parallel_loop3A_261 = tpu.vector_load %arg6[%parallel_loop3A_259, %parallel_loop3A_260] {strides = array<i32>} : memref<128x128xf32, #tpu.memory_space<vmem>>, vector<1x16xf32>,
        %parallel_loop3A_262 = vector.shape_cast %parallel_loop3A_261 : vector<1x16xf32> to vector<16xf32>
        %parallel_loop3A_263 = vector.shape_cast %parallel_loop3A_258 : vector<16xf32> to vector<1x16xf32>
        tpu.vector_store %arg6[%parallel_loop3A_259, %parallel_loop3A_260], %parallel_loop3A_263 {strides = array<i32>} : memref<128x128xf32, #tpu.memory_space<vmem>>, vector<1x16xf32>,
        %parallel_loop3A_264 = arith.index_cast %parallel_loop3A_179 : i32 to index
        %parallel_loop3A_265 = arith.constant 112 : index
        %parallel_loop3A_266 = tpu.vector_load %arg6[%parallel_loop3A_264, %parallel_loop3A_265] {strides = array<i32>} : memref<128x128xf32, #tpu.memory_space<vmem>>, vector<1x16xf32>,
        %parallel_loop3A_267 = vector.shape_cast %parallel_loop3A_266 : vector<1x16xf32> to vector<16xf32>
        %parallel_loop3A_268 = arith.constant 11.3137083 : f32
        %parallel_loop3A_269 = vector.broadcast %parallel_loop3A_268 : f32 to vector<16xf32>
        %parallel_loop3A_270 = arith.mulf %parallel_loop3A_267, %parallel_loop3A_269 : vector<16xf32>
        %parallel_loop3A_271 = arith.index_cast %parallel_loop3A_179 : i32 to index
        %parallel_loop3A_272 = arith.constant 112 : index
        %parallel_loop3A_273 = tpu.vector_load %arg6[%parallel_loop3A_271, %parallel_loop3A_272] {strides = array<i32>} : memref<128x128xf32, #tpu.memory_space<vmem>>, vector<1x16xf32>,
        %parallel_loop3A_274 = vector.shape_cast %parallel_loop3A_273 : vector<1x16xf32> to vector<16xf32>
        %parallel_loop3A_275 = vector.shape_cast %parallel_loop3A_270 : vector<16xf32> to vector<1x16xf32>
        tpu.vector_store %arg6[%parallel_loop3A_271, %parallel_loop3A_272], %parallel_loop3A_275 {strides = array<i32>} : memref<128x128xf32, #tpu.memory_space<vmem>>, vector<1x16xf32>,
      } {sc.loop_unroll_factor = 4 : i64, sc.parallel_access}
      %mul3A_75 = arith.constant 128 : i32
      %mul3A_76 = arith.muli %add3A_66, %mul3A_75 : i32
      %add3A_77 = arith.addi %mul3A_4, %mul3A_76 : i32
      %dma_start3A_78 = arith.constant 0 : i32
      %dma_start3A_79 = tpu.memref_slice %arg4[%add3A_77, %dma_start3A_78] : memref<819200x128xf32, #tpu.memory_space<hbm>> -> memref<128x128xf32, #tpu.memory_space<hbm>>
      %dma_start3A_80 = arith.constant 0 : i32
      %dma_start3A_81 = tpu.memref_slice %arg4[%add3A_77, %dma_start3A_80] : memref<819200x128xf32, #tpu.memory_space<hbm>> -> memref<128x128xf32, #tpu.memory_space<hbm>>
      tpu.enqueue_dma source(%arg6 : memref<128x128xf32, #tpu.memory_space<vmem>>) target(%dma_start3A_81 : memref<128x128xf32, #tpu.memory_space<hbm>>) target_semaphore(%arg14 : memref<!tpu.dma_semaphore, #tpu.memory_space<semaphore_mem>>)
      %add3A_82 = arith.constant 4 : i32
      %add3A_83 = arith.addi %add3A_66, %add3A_82 : i32
      %sub3A = arith.constant 1 : i32
      %sub3A_84 = arith.subi %add3A_83, %sub3A : i32
      %ge3A = arith.constant 1 : i32
      %ge3A_85 = arith.cmpi sge, %add3A_66, %ge3A : i32
      %lt3A = arith.constant 200 : i32
      %lt3A_86 = arith.cmpi slt, %sub3A_84, %lt3A : i32
      %and3A = arith.andi %ge3A_85, %lt3A_86 : i1
      %convert_element_type3A = arith.extui %and3A : i1 to i32
      %cond3A = arith.constant 0 : i32
      %cond3A_87 = arith.cmpi ne, %convert_element_type3A, %cond3A : i32
      scf.if %cond3A_87 {
        %sub3A_179 = arith.constant 4 : i32
        %sub3A_180 = arith.subi %sub3A_84, %sub3A_179 : i32
        %mul3A_181 = arith.constant 128 : i32
        %mul3A_182 = arith.muli %sub3A_180, %mul3A_181 : i32
        %add3A_183 = arith.addi %mul3A_4, %mul3A_182 : i32
        %dma_wait3A_184 = arith.constant 0 : i32
        %dma_wait3A_185 = tpu.memref_slice %arg4[%add3A_183, %dma_wait3A_184] : memref<819200x128xf32, #tpu.memory_space<hbm>> -> memref<128x128xf32, #tpu.memory_space<hbm>>
        %dma_wait3A_186 = arith.constant 0 : i32
        %dma_wait3A_187 = tpu.memref_slice %arg4[%add3A_183, %dma_wait3A_186] : memref<819200x128xf32, #tpu.memory_space<hbm>> -> memref<128x128xf32, #tpu.memory_space<hbm>>
        tpu.wait_dma2 semaphore(%arg17 : memref<!tpu.dma_semaphore, #tpu.memory_space<semaphore_mem>>) src(%arg9 : memref<128x128xf32, #tpu.memory_space<vmem>>) dst(%dma_wait3A_187 : memref<128x128xf32, #tpu.memory_space<hbm>>)
        %dma_start3A_188 = arith.constant 0 : i32
        %dma_start3A_189 = tpu.memref_slice %arg5[%sub3A_84, %dma_start3A_188] : memref<200x128xi32, #tpu.memory_space<vmem>> -> memref<1x128xi32, #tpu.memory_space<vmem>>
        %dma_start3A_190 = tpu.memref_squeeze %dma_start3A_189 : memref<1x128xi32, #tpu.memory_space<vmem>> -> memref<128xi32, #tpu.memory_space<vmem>>
        %dma_start3A_191 = arith.constant 0 : i32
        %dma_start3A_192 = arith.constant 0 : i32
        %dma_start3A_193 = tpu.memref_slice %arg3[%dma_start3A_191, %dma_start3A_192] : memref<1000000x128xf32, #tpu.memory_space<hbm>> -> memref<1000000x128xf32, #tpu.memory_space<hbm>>
        tpu.enqueue_indirect_dma source(%dma_start3A_193 : memref<1000000x128xf32, #tpu.memory_space<hbm>>) target(%arg9 : memref<128x128xf32, #tpu.memory_space<vmem>>) offsets(%dma_start3A_190 : memref<128xi32, #tpu.memory_space<vmem>>) semaphore(%arg13 : memref<!tpu.dma_semaphore, #tpu.memory_space<semaphore_mem>>)
      } else {
      }
      %add3A_88 = arith.constant 1 : i32
      %add3A_89 = arith.addi %mul3A_64, %add3A_88 : i32
      %dma_wait3A_90 = arith.constant 0 : i32
      %dma_wait3A_91 = tpu.memref_slice %arg5[%add3A_89, %dma_wait3A_90] : memref<200x128xi32, #tpu.memory_space<vmem>> -> memref<1x128xi32, #tpu.memory_space<vmem>>
      %dma_wait3A_92 = tpu.memref_squeeze %dma_wait3A_91 : memref<1x128xi32, #tpu.memory_space<vmem>> -> memref<128xi32, #tpu.memory_space<vmem>>
      %dma_wait3A_93 = arith.constant 0 : i32
      %dma_wait3A_94 = arith.constant 0 : i32
      %dma_wait3A_95 = tpu.memref_slice %arg3[%dma_wait3A_93, %dma_wait3A_94] : memref<1000000x128xf32, #tpu.memory_space<hbm>> -> memref<1000000x128xf32, #tpu.memory_space<hbm>>
      tpu.wait_indirect_dma semaphore(%arg11 : memref<!tpu.dma_semaphore, #tpu.memory_space<semaphore_mem>>) src(%dma_wait3A_95 : memref<1000000x128xf32, #tpu.memory_space<hbm>>) dst(%arg7 : memref<128x128xf32, #tpu.memory_space<vmem>>)
      %parallel_loop3A_96 = arith.constant 0 : i32
      %parallel_loop3A_97 = arith.constant 128 : i32
      %parallel_loop3A_98 = arith.constant 1 : i32
      scf.for %parallel_loop3A_179 = %parallel_loop3A_96 to %parallel_loop3A_97 step %parallel_loop3A_98  : i32 {
        %parallel_loop3A_180 = arith.index_cast %parallel_loop3A_179 : i32 to index
        %parallel_loop3A_181 = arith.constant 0 : index
        %parallel_loop3A_182 = tpu.vector_load %arg7[%parallel_loop3A_180, %parallel_loop3A_181] {strides = array<i32>} : memref<128x128xf32, #tpu.memory_space<vmem>>, vector<1x16xf32>,
        %parallel_loop3A_183 = vector.shape_cast %parallel_loop3A_182 : vector<1x16xf32> to vector<16xf32>
        %parallel_loop3A_184 = arith.constant 11.3137083 : f32
        %parallel_loop3A_185 = vector.broadcast %parallel_loop3A_184 : f32 to vector<16xf32>
        %parallel_loop3A_186 = arith.mulf %parallel_loop3A_183, %parallel_loop3A_185 : vector<16xf32>
        %parallel_loop3A_187 = arith.index_cast %parallel_loop3A_179 : i32 to index
        %parallel_loop3A_188 = arith.constant 0 : index
        %parallel_loop3A_189 = tpu.vector_load %arg7[%parallel_loop3A_187, %parallel_loop3A_188] {strides = array<i32>} : memref<128x128xf32, #tpu.memory_space<vmem>>, vector<1x16xf32>,
        %parallel_loop3A_190 = vector.shape_cast %parallel_loop3A_189 : vector<1x16xf32> to vector<16xf32>
        %parallel_loop3A_191 = vector.shape_cast %parallel_loop3A_186 : vector<16xf32> to vector<1x16xf32>
        tpu.vector_store %arg7[%parallel_loop3A_187, %parallel_loop3A_188], %parallel_loop3A_191 {strides = array<i32>} : memref<128x128xf32, #tpu.memory_space<vmem>>, vector<1x16xf32>,
        %parallel_loop3A_192 = arith.index_cast %parallel_loop3A_179 : i32 to index
        %parallel_loop3A_193 = arith.constant 16 : index
        %parallel_loop3A_194 = tpu.vector_load %arg7[%parallel_loop3A_192, %parallel_loop3A_193] {strides = array<i32>} : memref<128x128xf32, #tpu.memory_space<vmem>>, vector<1x16xf32>,
        %parallel_loop3A_195 = vector.shape_cast %parallel_loop3A_194 : vector<1x16xf32> to vector<16xf32>
        %parallel_loop3A_196 = arith.constant 11.3137083 : f32
        %parallel_loop3A_197 = vector.broadcast %parallel_loop3A_196 : f32 to vector<16xf32>
        %parallel_loop3A_198 = arith.mulf %parallel_loop3A_195, %parallel_loop3A_197 : vector<16xf32>
        %parallel_loop3A_199 = arith.index_cast %parallel_loop3A_179 : i32 to index
        %parallel_loop3A_200 = arith.constant 16 : index
        %parallel_loop3A_201 = tpu.vector_load %arg7[%parallel_loop3A_199, %parallel_loop3A_200] {strides = array<i32>} : memref<128x128xf32, #tpu.memory_space<vmem>>, vector<1x16xf32>,
        %parallel_loop3A_202 = vector.shape_cast %parallel_loop3A_201 : vector<1x16xf32> to vector<16xf32>
        %parallel_loop3A_203 = vector.shape_cast %parallel_loop3A_198 : vector<16xf32> to vector<1x16xf32>
        tpu.vector_store %arg7[%parallel_loop3A_199, %parallel_loop3A_200], %parallel_loop3A_203 {strides = array<i32>} : memref<128x128xf32, #tpu.memory_space<vmem>>, vector<1x16xf32>,
        %parallel_loop3A_204 = arith.index_cast %parallel_loop3A_179 : i32 to index
        %parallel_loop3A_205 = arith.constant 32 : index
        %parallel_loop3A_206 = tpu.vector_load %arg7[%parallel_loop3A_204, %parallel_loop3A_205] {strides = array<i32>} : memref<128x128xf32, #tpu.memory_space<vmem>>, vector<1x16xf32>,
        %parallel_loop3A_207 = vector.shape_cast %parallel_loop3A_206 : vector<1x16xf32> to vector<16xf32>
        %parallel_loop3A_208 = arith.constant 11.3137083 : f32
        %parallel_loop3A_209 = vector.broadcast %parallel_loop3A_208 : f32 to vector<16xf32>
        %parallel_loop3A_210 = arith.mulf %parallel_loop3A_207, %parallel_loop3A_209 : vector<16xf32>
        %parallel_loop3A_211 = arith.index_cast %parallel_loop3A_179 : i32 to index
        %parallel_loop3A_212 = arith.constant 32 : index
        %parallel_loop3A_213 = tpu.vector_load %arg7[%parallel_loop3A_211, %parallel_loop3A_212] {strides = array<i32>} : memref<128x128xf32, #tpu.memory_space<vmem>>, vector<1x16xf32>,
        %parallel_loop3A_214 = vector.shape_cast %parallel_loop3A_213 : vector<1x16xf32> to vector<16xf32>
        %parallel_loop3A_215 = vector.shape_cast %parallel_loop3A_210 : vector<16xf32> to vector<1x16xf32>
        tpu.vector_store %arg7[%parallel_loop3A_211, %parallel_loop3A_212], %parallel_loop3A_215 {strides = array<i32>} : memref<128x128xf32, #tpu.memory_space<vmem>>, vector<1x16xf32>,
        %parallel_loop3A_216 = arith.index_cast %parallel_loop3A_179 : i32 to index
        %parallel_loop3A_217 = arith.constant 48 : index
        %parallel_loop3A_218 = tpu.vector_load %arg7[%parallel_loop3A_216, %parallel_loop3A_217] {strides = array<i32>} : memref<128x128xf32, #tpu.memory_space<vmem>>, vector<1x16xf32>,
        %parallel_loop3A_219 = vector.shape_cast %parallel_loop3A_218 : vector<1x16xf32> to vector<16xf32>
        %parallel_loop3A_220 = arith.constant 11.3137083 : f32
        %parallel_loop3A_221 = vector.broadcast %parallel_loop3A_220 : f32 to vector<16xf32>
        %parallel_loop3A_222 = arith.mulf %parallel_loop3A_219, %parallel_loop3A_221 : vector<16xf32>
        %parallel_loop3A_223 = arith.index_cast %parallel_loop3A_179 : i32 to index
        %parallel_loop3A_224 = arith.constant 48 : index
        %parallel_loop3A_225 = tpu.vector_load %arg7[%parallel_loop3A_223, %parallel_loop3A_224] {strides = array<i32>} : memref<128x128xf32, #tpu.memory_space<vmem>>, vector<1x16xf32>,
        %parallel_loop3A_226 = vector.shape_cast %parallel_loop3A_225 : vector<1x16xf32> to vector<16xf32>
        %parallel_loop3A_227 = vector.shape_cast %parallel_loop3A_222 : vector<16xf32> to vector<1x16xf32>
        tpu.vector_store %arg7[%parallel_loop3A_223, %parallel_loop3A_224], %parallel_loop3A_227 {strides = array<i32>} : memref<128x128xf32, #tpu.memory_space<vmem>>, vector<1x16xf32>,
        %parallel_loop3A_228 = arith.index_cast %parallel_loop3A_179 : i32 to index
        %parallel_loop3A_229 = arith.constant 64 : index
        %parallel_loop3A_230 = tpu.vector_load %arg7[%parallel_loop3A_228, %parallel_loop3A_229] {strides = array<i32>} : memref<128x128xf32, #tpu.memory_space<vmem>>, vector<1x16xf32>,
        %parallel_loop3A_231 = vector.shape_cast %parallel_loop3A_230 : vector<1x16xf32> to vector<16xf32>
        %parallel_loop3A_232 = arith.constant 11.3137083 : f32
        %parallel_loop3A_233 = vector.broadcast %parallel_loop3A_232 : f32 to vector<16xf32>
        %parallel_loop3A_234 = arith.mulf %parallel_loop3A_231, %parallel_loop3A_233 : vector<16xf32>
        %parallel_loop3A_235 = arith.index_cast %parallel_loop3A_179 : i32 to index
        %parallel_loop3A_236 = arith.constant 64 : index
        %parallel_loop3A_237 = tpu.vector_load %arg7[%parallel_loop3A_235, %parallel_loop3A_236] {strides = array<i32>} : memref<128x128xf32, #tpu.memory_space<vmem>>, vector<1x16xf32>,
        %parallel_loop3A_238 = vector.shape_cast %parallel_loop3A_237 : vector<1x16xf32> to vector<16xf32>
        %parallel_loop3A_239 = vector.shape_cast %parallel_loop3A_234 : vector<16xf32> to vector<1x16xf32>
        tpu.vector_store %arg7[%parallel_loop3A_235, %parallel_loop3A_236], %parallel_loop3A_239 {strides = array<i32>} : memref<128x128xf32, #tpu.memory_space<vmem>>, vector<1x16xf32>,
        %parallel_loop3A_240 = arith.index_cast %parallel_loop3A_179 : i32 to index
        %parallel_loop3A_241 = arith.constant 80 : index
        %parallel_loop3A_242 = tpu.vector_load %arg7[%parallel_loop3A_240, %parallel_loop3A_241] {strides = array<i32>} : memref<128x128xf32, #tpu.memory_space<vmem>>, vector<1x16xf32>,
        %parallel_loop3A_243 = vector.shape_cast %parallel_loop3A_242 : vector<1x16xf32> to vector<16xf32>
        %parallel_loop3A_244 = arith.constant 11.3137083 : f32
        %parallel_loop3A_245 = vector.broadcast %parallel_loop3A_244 : f32 to vector<16xf32>
        %parallel_loop3A_246 = arith.mulf %parallel_loop3A_243, %parallel_loop3A_245 : vector<16xf32>
        %parallel_loop3A_247 = arith.index_cast %parallel_loop3A_179 : i32 to index
        %parallel_loop3A_248 = arith.constant 80 : index
        %parallel_loop3A_249 = tpu.vector_load %arg7[%parallel_loop3A_247, %parallel_loop3A_248] {strides = array<i32>} : memref<128x128xf32, #tpu.memory_space<vmem>>, vector<1x16xf32>,
        %parallel_loop3A_250 = vector.shape_cast %parallel_loop3A_249 : vector<1x16xf32> to vector<16xf32>
        %parallel_loop3A_251 = vector.shape_cast %parallel_loop3A_246 : vector<16xf32> to vector<1x16xf32>
        tpu.vector_store %arg7[%parallel_loop3A_247, %parallel_loop3A_248], %parallel_loop3A_251 {strides = array<i32>} : memref<128x128xf32, #tpu.memory_space<vmem>>, vector<1x16xf32>,
        %parallel_loop3A_252 = arith.index_cast %parallel_loop3A_179 : i32 to index
        %parallel_loop3A_253 = arith.constant 96 : index
        %parallel_loop3A_254 = tpu.vector_load %arg7[%parallel_loop3A_252, %parallel_loop3A_253] {strides = array<i32>} : memref<128x128xf32, #tpu.memory_space<vmem>>, vector<1x16xf32>,
        %parallel_loop3A_255 = vector.shape_cast %parallel_loop3A_254 : vector<1x16xf32> to vector<16xf32>
        %parallel_loop3A_256 = arith.constant 11.3137083 : f32
        %parallel_loop3A_257 = vector.broadcast %parallel_loop3A_256 : f32 to vector<16xf32>
        %parallel_loop3A_258 = arith.mulf %parallel_loop3A_255, %parallel_loop3A_257 : vector<16xf32>
        %parallel_loop3A_259 = arith.index_cast %parallel_loop3A_179 : i32 to index
        %parallel_loop3A_260 = arith.constant 96 : index
        %parallel_loop3A_261 = tpu.vector_load %arg7[%parallel_loop3A_259, %parallel_loop3A_260] {strides = array<i32>} : memref<128x128xf32, #tpu.memory_space<vmem>>, vector<1x16xf32>,
        %parallel_loop3A_262 = vector.shape_cast %parallel_loop3A_261 : vector<1x16xf32> to vector<16xf32>
        %parallel_loop3A_263 = vector.shape_cast %parallel_loop3A_258 : vector<16xf32> to vector<1x16xf32>
        tpu.vector_store %arg7[%parallel_loop3A_259, %parallel_loop3A_260], %parallel_loop3A_263 {strides = array<i32>} : memref<128x128xf32, #tpu.memory_space<vmem>>, vector<1x16xf32>,
        %parallel_loop3A_264 = arith.index_cast %parallel_loop3A_179 : i32 to index
        %parallel_loop3A_265 = arith.constant 112 : index
        %parallel_loop3A_266 = tpu.vector_load %arg7[%parallel_loop3A_264, %parallel_loop3A_265] {strides = array<i32>} : memref<128x128xf32, #tpu.memory_space<vmem>>, vector<1x16xf32>,
        %parallel_loop3A_267 = vector.shape_cast %parallel_loop3A_266 : vector<1x16xf32> to vector<16xf32>
        %parallel_loop3A_268 = arith.constant 11.3137083 : f32
        %parallel_loop3A_269 = vector.broadcast %parallel_loop3A_268 : f32 to vector<16xf32>
        %parallel_loop3A_270 = arith.mulf %parallel_loop3A_267, %parallel_loop3A_269 : vector<16xf32>
        %parallel_loop3A_271 = arith.index_cast %parallel_loop3A_179 : i32 to index
        %parallel_loop3A_272 = arith.constant 112 : index
        %parallel_loop3A_273 = tpu.vector_load %arg7[%parallel_loop3A_271, %parallel_loop3A_272] {strides = array<i32>} : memref<128x128xf32, #tpu.memory_space<vmem>>, vector<1x16xf32>,
        %parallel_loop3A_274 = vector.shape_cast %parallel_loop3A_273 : vector<1x16xf32> to vector<16xf32>
        %parallel_loop3A_275 = vector.shape_cast %parallel_loop3A_270 : vector<16xf32> to vector<1x16xf32>
        tpu.vector_store %arg7[%parallel_loop3A_271, %parallel_loop3A_272], %parallel_loop3A_275 {strides = array<i32>} : memref<128x128xf32, #tpu.memory_space<vmem>>, vector<1x16xf32>,
      } {sc.loop_unroll_factor = 4 : i64, sc.parallel_access}
      %mul3A_99 = arith.constant 128 : i32
      %mul3A_100 = arith.muli %add3A_89, %mul3A_99 : i32
      %add3A_101 = arith.addi %mul3A_4, %mul3A_100 : i32
      %dma_start3A_102 = arith.constant 0 : i32
      %dma_start3A_103 = tpu.memref_slice %arg4[%add3A_101, %dma_start3A_102] : memref<819200x128xf32, #tpu.memory_space<hbm>> -> memref<128x128xf32, #tpu.memory_space<hbm>>
      %dma_start3A_104 = arith.constant 0 : i32
      %dma_start3A_105 = tpu.memref_slice %arg4[%add3A_101, %dma_start3A_104] : memref<819200x128xf32, #tpu.memory_space<hbm>> -> memref<128x128xf32, #tpu.memory_space<hbm>>
      tpu.enqueue_dma source(%arg7 : memref<128x128xf32, #tpu.memory_space<vmem>>) target(%dma_start3A_105 : memref<128x128xf32, #tpu.memory_space<hbm>>) target_semaphore(%arg15 : memref<!tpu.dma_semaphore, #tpu.memory_space<semaphore_mem>>)
      %add3A_106 = arith.constant 4 : i32
      %add3A_107 = arith.addi %add3A_89, %add3A_106 : i32
      %sub3A_108 = arith.constant 1 : i32
      %sub3A_109 = arith.subi %add3A_107, %sub3A_108 : i32
      %ge3A_110 = arith.constant 1 : i32
      %ge3A_111 = arith.cmpi sge, %add3A_89, %ge3A_110 : i32
      %lt3A_112 = arith.constant 200 : i32
      %lt3A_113 = arith.cmpi slt, %sub3A_109, %lt3A_112 : i32
      %and3A_114 = arith.andi %ge3A_111, %lt3A_113 : i1
      %convert_element_type3A_115 = arith.extui %and3A_114 : i1 to i32
      %cond3A_116 = arith.constant 0 : i32
      %cond3A_117 = arith.cmpi ne, %convert_element_type3A_115, %cond3A_116 : i32
      scf.if %cond3A_117 {
        %sub3A_179 = arith.constant 4 : i32
        %sub3A_180 = arith.subi %sub3A_109, %sub3A_179 : i32
        %mul3A_181 = arith.constant 128 : i32
        %mul3A_182 = arith.muli %sub3A_180, %mul3A_181 : i32
        %add3A_183 = arith.addi %mul3A_4, %mul3A_182 : i32
        %dma_wait3A_184 = arith.constant 0 : i32
        %dma_wait3A_185 = tpu.memref_slice %arg4[%add3A_183, %dma_wait3A_184] : memref<819200x128xf32, #tpu.memory_space<hbm>> -> memref<128x128xf32, #tpu.memory_space<hbm>>
        %dma_wait3A_186 = arith.constant 0 : i32
        %dma_wait3A_187 = tpu.memref_slice %arg4[%add3A_183, %dma_wait3A_186] : memref<819200x128xf32, #tpu.memory_space<hbm>> -> memref<128x128xf32, #tpu.memory_space<hbm>>
        tpu.wait_dma2 semaphore(%arg14 : memref<!tpu.dma_semaphore, #tpu.memory_space<semaphore_mem>>) src(%arg6 : memref<128x128xf32, #tpu.memory_space<vmem>>) dst(%dma_wait3A_187 : memref<128x128xf32, #tpu.memory_space<hbm>>)
        %dma_start3A_188 = arith.constant 0 : i32
        %dma_start3A_189 = tpu.memref_slice %arg5[%sub3A_109, %dma_start3A_188] : memref<200x128xi32, #tpu.memory_space<vmem>> -> memref<1x128xi32, #tpu.memory_space<vmem>>
        %dma_start3A_190 = tpu.memref_squeeze %dma_start3A_189 : memref<1x128xi32, #tpu.memory_space<vmem>> -> memref<128xi32, #tpu.memory_space<vmem>>
        %dma_start3A_191 = arith.constant 0 : i32
        %dma_start3A_192 = arith.constant 0 : i32
        %dma_start3A_193 = tpu.memref_slice %arg3[%dma_start3A_191, %dma_start3A_192] : memref<1000000x128xf32, #tpu.memory_space<hbm>> -> memref<1000000x128xf32, #tpu.memory_space<hbm>>
        tpu.enqueue_indirect_dma source(%dma_start3A_193 : memref<1000000x128xf32, #tpu.memory_space<hbm>>) target(%arg6 : memref<128x128xf32, #tpu.memory_space<vmem>>) offsets(%dma_start3A_190 : memref<128xi32, #tpu.memory_space<vmem>>) semaphore(%arg10 : memref<!tpu.dma_semaphore, #tpu.memory_space<semaphore_mem>>)
      } else {
      }
      %add3A_118 = arith.constant 2 : i32
      %add3A_119 = arith.addi %mul3A_64, %add3A_118 : i32
      %dma_wait3A_120 = arith.constant 0 : i32
      %dma_wait3A_121 = tpu.memref_slice %arg5[%add3A_119, %dma_wait3A_120] : memref<200x128xi32, #tpu.memory_space<vmem>> -> memref<1x128xi32, #tpu.memory_space<vmem>>
      %dma_wait3A_122 = tpu.memref_squeeze %dma_wait3A_121 : memref<1x128xi32, #tpu.memory_space<vmem>> -> memref<128xi32, #tpu.memory_space<vmem>>
      %dma_wait3A_123 = arith.constant 0 : i32
      %dma_wait3A_124 = arith.constant 0 : i32
      %dma_wait3A_125 = tpu.memref_slice %arg3[%dma_wait3A_123, %dma_wait3A_124] : memref<1000000x128xf32, #tpu.memory_space<hbm>> -> memref<1000000x128xf32, #tpu.memory_space<hbm>>
      tpu.wait_indirect_dma semaphore(%arg12 : memref<!tpu.dma_semaphore, #tpu.memory_space<semaphore_mem>>) src(%dma_wait3A_125 : memref<1000000x128xf32, #tpu.memory_space<hbm>>) dst(%arg8 : memref<128x128xf32, #tpu.memory_space<vmem>>)
      %parallel_loop3A_126 = arith.constant 0 : i32
      %parallel_loop3A_127 = arith.constant 128 : i32
      %parallel_loop3A_128 = arith.constant 1 : i32
      scf.for %parallel_loop3A_179 = %parallel_loop3A_126 to %parallel_loop3A_127 step %parallel_loop3A_128  : i32 {
        %parallel_loop3A_180 = arith.index_cast %parallel_loop3A_179 : i32 to index
        %parallel_loop3A_181 = arith.constant 0 : index
        %parallel_loop3A_182 = tpu.vector_load %arg8[%parallel_loop3A_180, %parallel_loop3A_181] {strides = array<i32>} : memref<128x128xf32, #tpu.memory_space<vmem>>, vector<1x16xf32>,
        %parallel_loop3A_183 = vector.shape_cast %parallel_loop3A_182 : vector<1x16xf32> to vector<16xf32>
        %parallel_loop3A_184 = arith.constant 11.3137083 : f32
        %parallel_loop3A_185 = vector.broadcast %parallel_loop3A_184 : f32 to vector<16xf32>
        %parallel_loop3A_186 = arith.mulf %parallel_loop3A_183, %parallel_loop3A_185 : vector<16xf32>
        %parallel_loop3A_187 = arith.index_cast %parallel_loop3A_179 : i32 to index
        %parallel_loop3A_188 = arith.constant 0 : index
        %parallel_loop3A_189 = tpu.vector_load %arg8[%parallel_loop3A_187, %parallel_loop3A_188] {strides = array<i32>} : memref<128x128xf32, #tpu.memory_space<vmem>>, vector<1x16xf32>,
        %parallel_loop3A_190 = vector.shape_cast %parallel_loop3A_189 : vector<1x16xf32> to vector<16xf32>
        %parallel_loop3A_191 = vector.shape_cast %parallel_loop3A_186 : vector<16xf32> to vector<1x16xf32>
        tpu.vector_store %arg8[%parallel_loop3A_187, %parallel_loop3A_188], %parallel_loop3A_191 {strides = array<i32>} : memref<128x128xf32, #tpu.memory_space<vmem>>, vector<1x16xf32>,
        %parallel_loop3A_192 = arith.index_cast %parallel_loop3A_179 : i32 to index
        %parallel_loop3A_193 = arith.constant 16 : index
        %parallel_loop3A_194 = tpu.vector_load %arg8[%parallel_loop3A_192, %parallel_loop3A_193] {strides = array<i32>} : memref<128x128xf32, #tpu.memory_space<vmem>>, vector<1x16xf32>,
        %parallel_loop3A_195 = vector.shape_cast %parallel_loop3A_194 : vector<1x16xf32> to vector<16xf32>
        %parallel_loop3A_196 = arith.constant 11.3137083 : f32
        %parallel_loop3A_197 = vector.broadcast %parallel_loop3A_196 : f32 to vector<16xf32>
        %parallel_loop3A_198 = arith.mulf %parallel_loop3A_195, %parallel_loop3A_197 : vector<16xf32>
        %parallel_loop3A_199 = arith.index_cast %parallel_loop3A_179 : i32 to index
        %parallel_loop3A_200 = arith.constant 16 : index
        %parallel_loop3A_201 = tpu.vector_load %arg8[%parallel_loop3A_199, %parallel_loop3A_200] {strides = array<i32>} : memref<128x128xf32, #tpu.memory_space<vmem>>, vector<1x16xf32>,
        %parallel_loop3A_202 = vector.shape_cast %parallel_loop3A_201 : vector<1x16xf32> to vector<16xf32>
        %parallel_loop3A_203 = vector.shape_cast %parallel_loop3A_198 : vector<16xf32> to vector<1x16xf32>
        tpu.vector_store %arg8[%parallel_loop3A_199, %parallel_loop3A_200], %parallel_loop3A_203 {strides = array<i32>} : memref<128x128xf32, #tpu.memory_space<vmem>>, vector<1x16xf32>,
        %parallel_loop3A_204 = arith.index_cast %parallel_loop3A_179 : i32 to index
        %parallel_loop3A_205 = arith.constant 32 : index
        %parallel_loop3A_206 = tpu.vector_load %arg8[%parallel_loop3A_204, %parallel_loop3A_205] {strides = array<i32>} : memref<128x128xf32, #tpu.memory_space<vmem>>, vector<1x16xf32>,
        %parallel_loop3A_207 = vector.shape_cast %parallel_loop3A_206 : vector<1x16xf32> to vector<16xf32>
        %parallel_loop3A_208 = arith.constant 11.3137083 : f32
        %parallel_loop3A_209 = vector.broadcast %parallel_loop3A_208 : f32 to vector<16xf32>
        %parallel_loop3A_210 = arith.mulf %parallel_loop3A_207, %parallel_loop3A_209 : vector<16xf32>
        %parallel_loop3A_211 = arith.index_cast %parallel_loop3A_179 : i32 to index
        %parallel_loop3A_212 = arith.constant 32 : index
        %parallel_loop3A_213 = tpu.vector_load %arg8[%parallel_loop3A_211, %parallel_loop3A_212] {strides = array<i32>} : memref<128x128xf32, #tpu.memory_space<vmem>>, vector<1x16xf32>,
        %parallel_loop3A_214 = vector.shape_cast %parallel_loop3A_213 : vector<1x16xf32> to vector<16xf32>
        %parallel_loop3A_215 = vector.shape_cast %parallel_loop3A_210 : vector<16xf32> to vector<1x16xf32>
        tpu.vector_store %arg8[%parallel_loop3A_211, %parallel_loop3A_212], %parallel_loop3A_215 {strides = array<i32>} : memref<128x128xf32, #tpu.memory_space<vmem>>, vector<1x16xf32>,
        %parallel_loop3A_216 = arith.index_cast %parallel_loop3A_179 : i32 to index
        %parallel_loop3A_217 = arith.constant 48 : index
        %parallel_loop3A_218 = tpu.vector_load %arg8[%parallel_loop3A_216, %parallel_loop3A_217] {strides = array<i32>} : memref<128x128xf32, #tpu.memory_space<vmem>>, vector<1x16xf32>,
        %parallel_loop3A_219 = vector.shape_cast %parallel_loop3A_218 : vector<1x16xf32> to vector<16xf32>
        %parallel_loop3A_220 = arith.constant 11.3137083 : f32
        %parallel_loop3A_221 = vector.broadcast %parallel_loop3A_220 : f32 to vector<16xf32>
        %parallel_loop3A_222 = arith.mulf %parallel_loop3A_219, %parallel_loop3A_221 : vector<16xf32>
        %parallel_loop3A_223 = arith.index_cast %parallel_loop3A_179 : i32 to index
        %parallel_loop3A_224 = arith.constant 48 : index
        %parallel_loop3A_225 = tpu.vector_load %arg8[%parallel_loop3A_223, %parallel_loop3A_224] {strides = array<i32>} : memref<128x128xf32, #tpu.memory_space<vmem>>, vector<1x16xf32>,
        %parallel_loop3A_226 = vector.shape_cast %parallel_loop3A_225 : vector<1x16xf32> to vector<16xf32>
        %parallel_loop3A_227 = vector.shape_cast %parallel_loop3A_222 : vector<16xf32> to vector<1x16xf32>
        tpu.vector_store %arg8[%parallel_loop3A_223, %parallel_loop3A_224], %parallel_loop3A_227 {strides = array<i32>} : memref<128x128xf32, #tpu.memory_space<vmem>>, vector<1x16xf32>,
        %parallel_loop3A_228 = arith.index_cast %parallel_loop3A_179 : i32 to index
        %parallel_loop3A_229 = arith.constant 64 : index
        %parallel_loop3A_230 = tpu.vector_load %arg8[%parallel_loop3A_228, %parallel_loop3A_229] {strides = array<i32>} : memref<128x128xf32, #tpu.memory_space<vmem>>, vector<1x16xf32>,
        %parallel_loop3A_231 = vector.shape_cast %parallel_loop3A_230 : vector<1x16xf32> to vector<16xf32>
        %parallel_loop3A_232 = arith.constant 11.3137083 : f32
        %parallel_loop3A_233 = vector.broadcast %parallel_loop3A_232 : f32 to vector<16xf32>
        %parallel_loop3A_234 = arith.mulf %parallel_loop3A_231, %parallel_loop3A_233 : vector<16xf32>
        %parallel_loop3A_235 = arith.index_cast %parallel_loop3A_179 : i32 to index
        %parallel_loop3A_236 = arith.constant 64 : index
        %parallel_loop3A_237 = tpu.vector_load %arg8[%parallel_loop3A_235, %parallel_loop3A_236] {strides = array<i32>} : memref<128x128xf32, #tpu.memory_space<vmem>>, vector<1x16xf32>,
        %parallel_loop3A_238 = vector.shape_cast %parallel_loop3A_237 : vector<1x16xf32> to vector<16xf32>
        %parallel_loop3A_239 = vector.shape_cast %parallel_loop3A_234 : vector<16xf32> to vector<1x16xf32>
        tpu.vector_store %arg8[%parallel_loop3A_235, %parallel_loop3A_236], %parallel_loop3A_239 {strides = array<i32>} : memref<128x128xf32, #tpu.memory_space<vmem>>, vector<1x16xf32>,
        %parallel_loop3A_240 = arith.index_cast %parallel_loop3A_179 : i32 to index
        %parallel_loop3A_241 = arith.constant 80 : index
        %parallel_loop3A_242 = tpu.vector_load %arg8[%parallel_loop3A_240, %parallel_loop3A_241] {strides = array<i32>} : memref<128x128xf32, #tpu.memory_space<vmem>>, vector<1x16xf32>,
        %parallel_loop3A_243 = vector.shape_cast %parallel_loop3A_242 : vector<1x16xf32> to vector<16xf32>
        %parallel_loop3A_244 = arith.constant 11.3137083 : f32
        %parallel_loop3A_245 = vector.broadcast %parallel_loop3A_244 : f32 to vector<16xf32>
        %parallel_loop3A_246 = arith.mulf %parallel_loop3A_243, %parallel_loop3A_245 : vector<16xf32>
        %parallel_loop3A_247 = arith.index_cast %parallel_loop3A_179 : i32 to index
        %parallel_loop3A_248 = arith.constant 80 : index
        %parallel_loop3A_249 = tpu.vector_load %arg8[%parallel_loop3A_247, %parallel_loop3A_248] {strides = array<i32>} : memref<128x128xf32, #tpu.memory_space<vmem>>, vector<1x16xf32>,
        %parallel_loop3A_250 = vector.shape_cast %parallel_loop3A_249 : vector<1x16xf32> to vector<16xf32>
        %parallel_loop3A_251 = vector.shape_cast %parallel_loop3A_246 : vector<16xf32> to vector<1x16xf32>
        tpu.vector_store %arg8[%parallel_loop3A_247, %parallel_loop3A_248], %parallel_loop3A_251 {strides = array<i32>} : memref<128x128xf32, #tpu.memory_space<vmem>>, vector<1x16xf32>,
        %parallel_loop3A_252 = arith.index_cast %parallel_loop3A_179 : i32 to index
        %parallel_loop3A_253 = arith.constant 96 : index
        %parallel_loop3A_254 = tpu.vector_load %arg8[%parallel_loop3A_252, %parallel_loop3A_253] {strides = array<i32>} : memref<128x128xf32, #tpu.memory_space<vmem>>, vector<1x16xf32>,
        %parallel_loop3A_255 = vector.shape_cast %parallel_loop3A_254 : vector<1x16xf32> to vector<16xf32>
        %parallel_loop3A_256 = arith.constant 11.3137083 : f32
        %parallel_loop3A_257 = vector.broadcast %parallel_loop3A_256 : f32 to vector<16xf32>
        %parallel_loop3A_258 = arith.mulf %parallel_loop3A_255, %parallel_loop3A_257 : vector<16xf32>
        %parallel_loop3A_259 = arith.index_cast %parallel_loop3A_179 : i32 to index
        %parallel_loop3A_260 = arith.constant 96 : index
        %parallel_loop3A_261 = tpu.vector_load %arg8[%parallel_loop3A_259, %parallel_loop3A_260] {strides = array<i32>} : memref<128x128xf32, #tpu.memory_space<vmem>>, vector<1x16xf32>,
        %parallel_loop3A_262 = vector.shape_cast %parallel_loop3A_261 : vector<1x16xf32> to vector<16xf32>
        %parallel_loop3A_263 = vector.shape_cast %parallel_loop3A_258 : vector<16xf32> to vector<1x16xf32>
        tpu.vector_store %arg8[%parallel_loop3A_259, %parallel_loop3A_260], %parallel_loop3A_263 {strides = array<i32>} : memref<128x128xf32, #tpu.memory_space<vmem>>, vector<1x16xf32>,
        %parallel_loop3A_264 = arith.index_cast %parallel_loop3A_179 : i32 to index
        %parallel_loop3A_265 = arith.constant 112 : index
        %parallel_loop3A_266 = tpu.vector_load %arg8[%parallel_loop3A_264, %parallel_loop3A_265] {strides = array<i32>} : memref<128x128xf32, #tpu.memory_space<vmem>>, vector<1x16xf32>,
        %parallel_loop3A_267 = vector.shape_cast %parallel_loop3A_266 : vector<1x16xf32> to vector<16xf32>
        %parallel_loop3A_268 = arith.constant 11.3137083 : f32
        %parallel_loop3A_269 = vector.broadcast %parallel_loop3A_268 : f32 to vector<16xf32>
        %parallel_loop3A_270 = arith.mulf %parallel_loop3A_267, %parallel_loop3A_269 : vector<16xf32>
        %parallel_loop3A_271 = arith.index_cast %parallel_loop3A_179 : i32 to index
        %parallel_loop3A_272 = arith.constant 112 : index
        %parallel_loop3A_273 = tpu.vector_load %arg8[%parallel_loop3A_271, %parallel_loop3A_272] {strides = array<i32>} : memref<128x128xf32, #tpu.memory_space<vmem>>, vector<1x16xf32>,
        %parallel_loop3A_274 = vector.shape_cast %parallel_loop3A_273 : vector<1x16xf32> to vector<16xf32>
        %parallel_loop3A_275 = vector.shape_cast %parallel_loop3A_270 : vector<16xf32> to vector<1x16xf32>
        tpu.vector_store %arg8[%parallel_loop3A_271, %parallel_loop3A_272], %parallel_loop3A_275 {strides = array<i32>} : memref<128x128xf32, #tpu.memory_space<vmem>>, vector<1x16xf32>,
      } {sc.loop_unroll_factor = 4 : i64, sc.parallel_access}
      %mul3A_129 = arith.constant 128 : i32
      %mul3A_130 = arith.muli %add3A_119, %mul3A_129 : i32
      %add3A_131 = arith.addi %mul3A_4, %mul3A_130 : i32
      %dma_start3A_132 = arith.constant 0 : i32
      %dma_start3A_133 = tpu.memref_slice %arg4[%add3A_131, %dma_start3A_132] : memref<819200x128xf32, #tpu.memory_space<hbm>> -> memref<128x128xf32, #tpu.memory_space<hbm>>
      %dma_start3A_134 = arith.constant 0 : i32
      %dma_start3A_135 = tpu.memref_slice %arg4[%add3A_131, %dma_start3A_134] : memref<819200x128xf32, #tpu.memory_space<hbm>> -> memref<128x128xf32, #tpu.memory_space<hbm>>
      tpu.enqueue_dma source(%arg8 : memref<128x128xf32, #tpu.memory_space<vmem>>) target(%dma_start3A_135 : memref<128x128xf32, #tpu.memory_space<hbm>>) target_semaphore(%arg16 : memref<!tpu.dma_semaphore, #tpu.memory_space<semaphore_mem>>)
      %add3A_136 = arith.constant 4 : i32
      %add3A_137 = arith.addi %add3A_119, %add3A_136 : i32
      %sub3A_138 = arith.constant 1 : i32
      %sub3A_139 = arith.subi %add3A_137, %sub3A_138 : i32
      %ge3A_140 = arith.constant 1 : i32
      %ge3A_141 = arith.cmpi sge, %add3A_119, %ge3A_140 : i32
      %lt3A_142 = arith.constant 200 : i32
      %lt3A_143 = arith.cmpi slt, %sub3A_139, %lt3A_142 : i32
      %and3A_144 = arith.andi %ge3A_141, %lt3A_143 : i1
      %convert_element_type3A_145 = arith.extui %and3A_144 : i1 to i32
      %cond3A_146 = arith.constant 0 : i32
      %cond3A_147 = arith.cmpi ne, %convert_element_type3A_145, %cond3A_146 : i32
      scf.if %cond3A_147 {
        %sub3A_179 = arith.constant 4 : i32
        %sub3A_180 = arith.subi %sub3A_139, %sub3A_179 : i32
        %mul3A_181 = arith.constant 128 : i32
        %mul3A_182 = arith.muli %sub3A_180, %mul3A_181 : i32
        %add3A_183 = arith.addi %mul3A_4, %mul3A_182 : i32
        %dma_wait3A_184 = arith.constant 0 : i32
        %dma_wait3A_185 = tpu.memref_slice %arg4[%add3A_183, %dma_wait3A_184] : memref<819200x128xf32, #tpu.memory_space<hbm>> -> memref<128x128xf32, #tpu.memory_space<hbm>>
        %dma_wait3A_186 = arith.constant 0 : i32
        %dma_wait3A_187 = tpu.memref_slice %arg4[%add3A_183, %dma_wait3A_186] : memref<819200x128xf32, #tpu.memory_space<hbm>> -> memref<128x128xf32, #tpu.memory_space<hbm>>
        tpu.wait_dma2 semaphore(%arg15 : memref<!tpu.dma_semaphore, #tpu.memory_space<semaphore_mem>>) src(%arg7 : memref<128x128xf32, #tpu.memory_space<vmem>>) dst(%dma_wait3A_187 : memref<128x128xf32, #tpu.memory_space<hbm>>)
        %dma_start3A_188 = arith.constant 0 : i32
        %dma_start3A_189 = tpu.memref_slice %arg5[%sub3A_139, %dma_start3A_188] : memref<200x128xi32, #tpu.memory_space<vmem>> -> memref<1x128xi32, #tpu.memory_space<vmem>>
        %dma_start3A_190 = tpu.memref_squeeze %dma_start3A_189 : memref<1x128xi32, #tpu.memory_space<vmem>> -> memref<128xi32, #tpu.memory_space<vmem>>
        %dma_start3A_191 = arith.constant 0 : i32
        %dma_start3A_192 = arith.constant 0 : i32
        %dma_start3A_193 = tpu.memref_slice %arg3[%dma_start3A_191, %dma_start3A_192] : memref<1000000x128xf32, #tpu.memory_space<hbm>> -> memref<1000000x128xf32, #tpu.memory_space<hbm>>
        tpu.enqueue_indirect_dma source(%dma_start3A_193 : memref<1000000x128xf32, #tpu.memory_space<hbm>>) target(%arg7 : memref<128x128xf32, #tpu.memory_space<vmem>>) offsets(%dma_start3A_190 : memref<128xi32, #tpu.memory_space<vmem>>) semaphore(%arg11 : memref<!tpu.dma_semaphore, #tpu.memory_space<semaphore_mem>>)
      } else {
      }
      %add3A_148 = arith.constant 3 : i32
      %add3A_149 = arith.addi %mul3A_64, %add3A_148 : i32
      %dma_wait3A_150 = arith.constant 0 : i32
      %dma_wait3A_151 = tpu.memref_slice %arg5[%add3A_149, %dma_wait3A_150] : memref<200x128xi32, #tpu.memory_space<vmem>> -> memref<1x128xi32, #tpu.memory_space<vmem>>
      %dma_wait3A_152 = tpu.memref_squeeze %dma_wait3A_151 : memref<1x128xi32, #tpu.memory_space<vmem>> -> memref<128xi32, #tpu.memory_space<vmem>>
      %dma_wait3A_153 = arith.constant 0 : i32
      %dma_wait3A_154 = arith.constant 0 : i32
      %dma_wait3A_155 = tpu.memref_slice %arg3[%dma_wait3A_153, %dma_wait3A_154] : memref<1000000x128xf32, #tpu.memory_space<hbm>> -> memref<1000000x128xf32, #tpu.memory_space<hbm>>
      tpu.wait_indirect_dma semaphore(%arg13 : memref<!tpu.dma_semaphore, #tpu.memory_space<semaphore_mem>>) src(%dma_wait3A_155 : memref<1000000x128xf32, #tpu.memory_space<hbm>>) dst(%arg9 : memref<128x128xf32, #tpu.memory_space<vmem>>)
      %parallel_loop3A_156 = arith.constant 0 : i32
      %parallel_loop3A_157 = arith.constant 128 : i32
      %parallel_loop3A_158 = arith.constant 1 : i32
      scf.for %parallel_loop3A_179 = %parallel_loop3A_156 to %parallel_loop3A_157 step %parallel_loop3A_158  : i32 {
        %parallel_loop3A_180 = arith.index_cast %parallel_loop3A_179 : i32 to index
        %parallel_loop3A_181 = arith.constant 0 : index
        %parallel_loop3A_182 = tpu.vector_load %arg9[%parallel_loop3A_180, %parallel_loop3A_181] {strides = array<i32>} : memref<128x128xf32, #tpu.memory_space<vmem>>, vector<1x16xf32>,
        %parallel_loop3A_183 = vector.shape_cast %parallel_loop3A_182 : vector<1x16xf32> to vector<16xf32>
        %parallel_loop3A_184 = arith.constant 11.3137083 : f32
        %parallel_loop3A_185 = vector.broadcast %parallel_loop3A_184 : f32 to vector<16xf32>
        %parallel_loop3A_186 = arith.mulf %parallel_loop3A_183, %parallel_loop3A_185 : vector<16xf32>
        %parallel_loop3A_187 = arith.index_cast %parallel_loop3A_179 : i32 to index
        %parallel_loop3A_188 = arith.constant 0 : index
        %parallel_loop3A_189 = tpu.vector_load %arg9[%parallel_loop3A_187, %parallel_loop3A_188] {strides = array<i32>} : memref<128x128xf32, #tpu.memory_space<vmem>>, vector<1x16xf32>,
        %parallel_loop3A_190 = vector.shape_cast %parallel_loop3A_189 : vector<1x16xf32> to vector<16xf32>
        %parallel_loop3A_191 = vector.shape_cast %parallel_loop3A_186 : vector<16xf32> to vector<1x16xf32>
        tpu.vector_store %arg9[%parallel_loop3A_187, %parallel_loop3A_188], %parallel_loop3A_191 {strides = array<i32>} : memref<128x128xf32, #tpu.memory_space<vmem>>, vector<1x16xf32>,
        %parallel_loop3A_192 = arith.index_cast %parallel_loop3A_179 : i32 to index
        %parallel_loop3A_193 = arith.constant 16 : index
        %parallel_loop3A_194 = tpu.vector_load %arg9[%parallel_loop3A_192, %parallel_loop3A_193] {strides = array<i32>} : memref<128x128xf32, #tpu.memory_space<vmem>>, vector<1x16xf32>,
        %parallel_loop3A_195 = vector.shape_cast %parallel_loop3A_194 : vector<1x16xf32> to vector<16xf32>
        %parallel_loop3A_196 = arith.constant 11.3137083 : f32
        %parallel_loop3A_197 = vector.broadcast %parallel_loop3A_196 : f32 to vector<16xf32>
        %parallel_loop3A_198 = arith.mulf %parallel_loop3A_195, %parallel_loop3A_197 : vector<16xf32>
        %parallel_loop3A_199 = arith.index_cast %parallel_loop3A_179 : i32 to index
        %parallel_loop3A_200 = arith.constant 16 : index
        %parallel_loop3A_201 = tpu.vector_load %arg9[%parallel_loop3A_199, %parallel_loop3A_200] {strides = array<i32>} : memref<128x128xf32, #tpu.memory_space<vmem>>, vector<1x16xf32>,
        %parallel_loop3A_202 = vector.shape_cast %parallel_loop3A_201 : vector<1x16xf32> to vector<16xf32>
        %parallel_loop3A_203 = vector.shape_cast %parallel_loop3A_198 : vector<16xf32> to vector<1x16xf32>
        tpu.vector_store %arg9[%parallel_loop3A_199, %parallel_loop3A_200], %parallel_loop3A_203 {strides = array<i32>} : memref<128x128xf32, #tpu.memory_space<vmem>>, vector<1x16xf32>,
        %parallel_loop3A_204 = arith.index_cast %parallel_loop3A_179 : i32 to index
        %parallel_loop3A_205 = arith.constant 32 : index
        %parallel_loop3A_206 = tpu.vector_load %arg9[%parallel_loop3A_204, %parallel_loop3A_205] {strides = array<i32>} : memref<128x128xf32, #tpu.memory_space<vmem>>, vector<1x16xf32>,
        %parallel_loop3A_207 = vector.shape_cast %parallel_loop3A_206 : vector<1x16xf32> to vector<16xf32>
        %parallel_loop3A_208 = arith.constant 11.3137083 : f32
        %parallel_loop3A_209 = vector.broadcast %parallel_loop3A_208 : f32 to vector<16xf32>
        %parallel_loop3A_210 = arith.mulf %parallel_loop3A_207, %parallel_loop3A_209 : vector<16xf32>
        %parallel_loop3A_211 = arith.index_cast %parallel_loop3A_179 : i32 to index
        %parallel_loop3A_212 = arith.constant 32 : index
        %parallel_loop3A_213 = tpu.vector_load %arg9[%parallel_loop3A_211, %parallel_loop3A_212] {strides = array<i32>} : memref<128x128xf32, #tpu.memory_space<vmem>>, vector<1x16xf32>,
        %parallel_loop3A_214 = vector.shape_cast %parallel_loop3A_213 : vector<1x16xf32> to vector<16xf32>
        %parallel_loop3A_215 = vector.shape_cast %parallel_loop3A_210 : vector<16xf32> to vector<1x16xf32>
        tpu.vector_store %arg9[%parallel_loop3A_211, %parallel_loop3A_212], %parallel_loop3A_215 {strides = array<i32>} : memref<128x128xf32, #tpu.memory_space<vmem>>, vector<1x16xf32>,
        %parallel_loop3A_216 = arith.index_cast %parallel_loop3A_179 : i32 to index
        %parallel_loop3A_217 = arith.constant 48 : index
        %parallel_loop3A_218 = tpu.vector_load %arg9[%parallel_loop3A_216, %parallel_loop3A_217] {strides = array<i32>} : memref<128x128xf32, #tpu.memory_space<vmem>>, vector<1x16xf32>,
        %parallel_loop3A_219 = vector.shape_cast %parallel_loop3A_218 : vector<1x16xf32> to vector<16xf32>
        %parallel_loop3A_220 = arith.constant 11.3137083 : f32
        %parallel_loop3A_221 = vector.broadcast %parallel_loop3A_220 : f32 to vector<16xf32>
        %parallel_loop3A_222 = arith.mulf %parallel_loop3A_219, %parallel_loop3A_221 : vector<16xf32>
        %parallel_loop3A_223 = arith.index_cast %parallel_loop3A_179 : i32 to index
        %parallel_loop3A_224 = arith.constant 48 : index
        %parallel_loop3A_225 = tpu.vector_load %arg9[%parallel_loop3A_223, %parallel_loop3A_224] {strides = array<i32>} : memref<128x128xf32, #tpu.memory_space<vmem>>, vector<1x16xf32>,
        %parallel_loop3A_226 = vector.shape_cast %parallel_loop3A_225 : vector<1x16xf32> to vector<16xf32>
        %parallel_loop3A_227 = vector.shape_cast %parallel_loop3A_222 : vector<16xf32> to vector<1x16xf32>
        tpu.vector_store %arg9[%parallel_loop3A_223, %parallel_loop3A_224], %parallel_loop3A_227 {strides = array<i32>} : memref<128x128xf32, #tpu.memory_space<vmem>>, vector<1x16xf32>,
        %parallel_loop3A_228 = arith.index_cast %parallel_loop3A_179 : i32 to index
        %parallel_loop3A_229 = arith.constant 64 : index
        %parallel_loop3A_230 = tpu.vector_load %arg9[%parallel_loop3A_228, %parallel_loop3A_229] {strides = array<i32>} : memref<128x128xf32, #tpu.memory_space<vmem>>, vector<1x16xf32>,
        %parallel_loop3A_231 = vector.shape_cast %parallel_loop3A_230 : vector<1x16xf32> to vector<16xf32>
        %parallel_loop3A_232 = arith.constant 11.3137083 : f32
        %parallel_loop3A_233 = vector.broadcast %parallel_loop3A_232 : f32 to vector<16xf32>
        %parallel_loop3A_234 = arith.mulf %parallel_loop3A_231, %parallel_loop3A_233 : vector<16xf32>
        %parallel_loop3A_235 = arith.index_cast %parallel_loop3A_179 : i32 to index
        %parallel_loop3A_236 = arith.constant 64 : index
        %parallel_loop3A_237 = tpu.vector_load %arg9[%parallel_loop3A_235, %parallel_loop3A_236] {strides = array<i32>} : memref<128x128xf32, #tpu.memory_space<vmem>>, vector<1x16xf32>,
        %parallel_loop3A_238 = vector.shape_cast %parallel_loop3A_237 : vector<1x16xf32> to vector<16xf32>
        %parallel_loop3A_239 = vector.shape_cast %parallel_loop3A_234 : vector<16xf32> to vector<1x16xf32>
        tpu.vector_store %arg9[%parallel_loop3A_235, %parallel_loop3A_236], %parallel_loop3A_239 {strides = array<i32>} : memref<128x128xf32, #tpu.memory_space<vmem>>, vector<1x16xf32>,
        %parallel_loop3A_240 = arith.index_cast %parallel_loop3A_179 : i32 to index
        %parallel_loop3A_241 = arith.constant 80 : index
        %parallel_loop3A_242 = tpu.vector_load %arg9[%parallel_loop3A_240, %parallel_loop3A_241] {strides = array<i32>} : memref<128x128xf32, #tpu.memory_space<vmem>>, vector<1x16xf32>,
        %parallel_loop3A_243 = vector.shape_cast %parallel_loop3A_242 : vector<1x16xf32> to vector<16xf32>
        %parallel_loop3A_244 = arith.constant 11.3137083 : f32
        %parallel_loop3A_245 = vector.broadcast %parallel_loop3A_244 : f32 to vector<16xf32>
        %parallel_loop3A_246 = arith.mulf %parallel_loop3A_243, %parallel_loop3A_245 : vector<16xf32>
        %parallel_loop3A_247 = arith.index_cast %parallel_loop3A_179 : i32 to index
        %parallel_loop3A_248 = arith.constant 80 : index
        %parallel_loop3A_249 = tpu.vector_load %arg9[%parallel_loop3A_247, %parallel_loop3A_248] {strides = array<i32>} : memref<128x128xf32, #tpu.memory_space<vmem>>, vector<1x16xf32>,
        %parallel_loop3A_250 = vector.shape_cast %parallel_loop3A_249 : vector<1x16xf32> to vector<16xf32>
        %parallel_loop3A_251 = vector.shape_cast %parallel_loop3A_246 : vector<16xf32> to vector<1x16xf32>
        tpu.vector_store %arg9[%parallel_loop3A_247, %parallel_loop3A_248], %parallel_loop3A_251 {strides = array<i32>} : memref<128x128xf32, #tpu.memory_space<vmem>>, vector<1x16xf32>,
        %parallel_loop3A_252 = arith.index_cast %parallel_loop3A_179 : i32 to index
        %parallel_loop3A_253 = arith.constant 96 : index
        %parallel_loop3A_254 = tpu.vector_load %arg9[%parallel_loop3A_252, %parallel_loop3A_253] {strides = array<i32>} : memref<128x128xf32, #tpu.memory_space<vmem>>, vector<1x16xf32>,
        %parallel_loop3A_255 = vector.shape_cast %parallel_loop3A_254 : vector<1x16xf32> to vector<16xf32>
        %parallel_loop3A_256 = arith.constant 11.3137083 : f32
        %parallel_loop3A_257 = vector.broadcast %parallel_loop3A_256 : f32 to vector<16xf32>
        %parallel_loop3A_258 = arith.mulf %parallel_loop3A_255, %parallel_loop3A_257 : vector<16xf32>
        %parallel_loop3A_259 = arith.index_cast %parallel_loop3A_179 : i32 to index
        %parallel_loop3A_260 = arith.constant 96 : index
        %parallel_loop3A_261 = tpu.vector_load %arg9[%parallel_loop3A_259, %parallel_loop3A_260] {strides = array<i32>} : memref<128x128xf32, #tpu.memory_space<vmem>>, vector<1x16xf32>,
        %parallel_loop3A_262 = vector.shape_cast %parallel_loop3A_261 : vector<1x16xf32> to vector<16xf32>
        %parallel_loop3A_263 = vector.shape_cast %parallel_loop3A_258 : vector<16xf32> to vector<1x16xf32>
        tpu.vector_store %arg9[%parallel_loop3A_259, %parallel_loop3A_260], %parallel_loop3A_263 {strides = array<i32>} : memref<128x128xf32, #tpu.memory_space<vmem>>, vector<1x16xf32>,
        %parallel_loop3A_264 = arith.index_cast %parallel_loop3A_179 : i32 to index
        %parallel_loop3A_265 = arith.constant 112 : index
        %parallel_loop3A_266 = tpu.vector_load %arg9[%parallel_loop3A_264, %parallel_loop3A_265] {strides = array<i32>} : memref<128x128xf32, #tpu.memory_space<vmem>>, vector<1x16xf32>,
        %parallel_loop3A_267 = vector.shape_cast %parallel_loop3A_266 : vector<1x16xf32> to vector<16xf32>
        %parallel_loop3A_268 = arith.constant 11.3137083 : f32
        %parallel_loop3A_269 = vector.broadcast %parallel_loop3A_268 : f32 to vector<16xf32>
        %parallel_loop3A_270 = arith.mulf %parallel_loop3A_267, %parallel_loop3A_269 : vector<16xf32>
        %parallel_loop3A_271 = arith.index_cast %parallel_loop3A_179 : i32 to index
        %parallel_loop3A_272 = arith.constant 112 : index
        %parallel_loop3A_273 = tpu.vector_load %arg9[%parallel_loop3A_271, %parallel_loop3A_272] {strides = array<i32>} : memref<128x128xf32, #tpu.memory_space<vmem>>, vector<1x16xf32>,
        %parallel_loop3A_274 = vector.shape_cast %parallel_loop3A_273 : vector<1x16xf32> to vector<16xf32>
        %parallel_loop3A_275 = vector.shape_cast %parallel_loop3A_270 : vector<16xf32> to vector<1x16xf32>
        tpu.vector_store %arg9[%parallel_loop3A_271, %parallel_loop3A_272], %parallel_loop3A_275 {strides = array<i32>} : memref<128x128xf32, #tpu.memory_space<vmem>>, vector<1x16xf32>,
      } {sc.loop_unroll_factor = 4 : i64, sc.parallel_access}
      %mul3A_159 = arith.constant 128 : i32
      %mul3A_160 = arith.muli %add3A_149, %mul3A_159 : i32
      %add3A_161 = arith.addi %mul3A_4, %mul3A_160 : i32
      %dma_start3A_162 = arith.constant 0 : i32
      %dma_start3A_163 = tpu.memref_slice %arg4[%add3A_161, %dma_start3A_162] : memref<819200x128xf32, #tpu.memory_space<hbm>> -> memref<128x128xf32, #tpu.memory_space<hbm>>
      %dma_start3A_164 = arith.constant 0 : i32
      %dma_start3A_165 = tpu.memref_slice %arg4[%add3A_161, %dma_start3A_164] : memref<819200x128xf32, #tpu.memory_space<hbm>> -> memref<128x128xf32, #tpu.memory_space<hbm>>
      tpu.enqueue_dma source(%arg9 : memref<128x128xf32, #tpu.memory_space<vmem>>) target(%dma_start3A_165 : memref<128x128xf32, #tpu.memory_space<hbm>>) target_semaphore(%arg17 : memref<!tpu.dma_semaphore, #tpu.memory_space<semaphore_mem>>)
      %add3A_166 = arith.constant 4 : i32
      %add3A_167 = arith.addi %add3A_149, %add3A_166 : i32
      %sub3A_168 = arith.constant 1 : i32
      %sub3A_169 = arith.subi %add3A_167, %sub3A_168 : i32
      %ge3A_170 = arith.constant 1 : i32
      %ge3A_171 = arith.cmpi sge, %add3A_149, %ge3A_170 : i32
      %lt3A_172 = arith.constant 200 : i32
      %lt3A_173 = arith.cmpi slt, %sub3A_169, %lt3A_172 : i32
      %and3A_174 = arith.andi %ge3A_171, %lt3A_173 : i1
      %convert_element_type3A_175 = arith.extui %and3A_174 : i1 to i32
      %cond3A_176 = arith.constant 0 : i32
      %cond3A_177 = arith.cmpi ne, %convert_element_type3A_175, %cond3A_176 : i32
      scf.if %cond3A_177 {
        %sub3A_179 = arith.constant 4 : i32
        %sub3A_180 = arith.subi %sub3A_169, %sub3A_179 : i32
        %mul3A_181 = arith.constant 128 : i32
        %mul3A_182 = arith.muli %sub3A_180, %mul3A_181 : i32
        %add3A_183 = arith.addi %mul3A_4, %mul3A_182 : i32
        %dma_wait3A_184 = arith.constant 0 : i32
        %dma_wait3A_185 = tpu.memref_slice %arg4[%add3A_183, %dma_wait3A_184] : memref<819200x128xf32, #tpu.memory_space<hbm>> -> memref<128x128xf32, #tpu.memory_space<hbm>>
        %dma_wait3A_186 = arith.constant 0 : i32
        %dma_wait3A_187 = tpu.memref_slice %arg4[%add3A_183, %dma_wait3A_186] : memref<819200x128xf32, #tpu.memory_space<hbm>> -> memref<128x128xf32, #tpu.memory_space<hbm>>
        tpu.wait_dma2 semaphore(%arg16 : memref<!tpu.dma_semaphore, #tpu.memory_space<semaphore_mem>>) src(%arg8 : memref<128x128xf32, #tpu.memory_space<vmem>>) dst(%dma_wait3A_187 : memref<128x128xf32, #tpu.memory_space<hbm>>)
        %dma_start3A_188 = arith.constant 0 : i32
        %dma_start3A_189 = tpu.memref_slice %arg5[%sub3A_169, %dma_start3A_188] : memref<200x128xi32, #tpu.memory_space<vmem>> -> memref<1x128xi32, #tpu.memory_space<vmem>>
        %dma_start3A_190 = tpu.memref_squeeze %dma_start3A_189 : memref<1x128xi32, #tpu.memory_space<vmem>> -> memref<128xi32, #tpu.memory_space<vmem>>
        %dma_start3A_191 = arith.constant 0 : i32
        %dma_start3A_192 = arith.constant 0 : i32
        %dma_start3A_193 = tpu.memref_slice %arg3[%dma_start3A_191, %dma_start3A_192] : memref<1000000x128xf32, #tpu.memory_space<hbm>> -> memref<1000000x128xf32, #tpu.memory_space<hbm>>
        tpu.enqueue_indirect_dma source(%dma_start3A_193 : memref<1000000x128xf32, #tpu.memory_space<hbm>>) target(%arg8 : memref<128x128xf32, #tpu.memory_space<vmem>>) offsets(%dma_start3A_190 : memref<128xi32, #tpu.memory_space<vmem>>) semaphore(%arg12 : memref<!tpu.dma_semaphore, #tpu.memory_space<semaphore_mem>>)
      } else {
      }
      %scan3A_178 = arith.constant 0 : i32
      scf.yield %scan3A_178 : i32
    }
    %scan3A_37 = arith.constant 50 : i32
    %add3A_38 = arith.constant 25088 : i32
    %add3A_39 = arith.addi %mul3A_4, %add3A_38 : i32
    %dma_wait3A = arith.constant 0 : i32
    %dma_wait3A_40 = tpu.memref_slice %arg4[%add3A_39, %dma_wait3A] : memref<819200x128xf32, #tpu.memory_space<hbm>> -> memref<128x128xf32, #tpu.memory_space<hbm>>
    %dma_wait3A_41 = arith.constant 0 : i32
    %dma_wait3A_42 = tpu.memref_slice %arg4[%add3A_39, %dma_wait3A_41] : memref<819200x128xf32, #tpu.memory_space<hbm>> -> memref<128x128xf32, #tpu.memory_space<hbm>>
    tpu.wait_dma2 semaphore(%arg14 : memref<!tpu.dma_semaphore, #tpu.memory_space<semaphore_mem>>) src(%arg6 : memref<128x128xf32, #tpu.memory_space<vmem>>) dst(%dma_wait3A_42 : memref<128x128xf32, #tpu.memory_space<hbm>>)
    %add3A_43 = arith.constant 25216 : i32
    %add3A_44 = arith.addi %mul3A_4, %add3A_43 : i32
    %dma_wait3A_45 = arith.constant 0 : i32
    %dma_wait3A_46 = tpu.memref_slice %arg4[%add3A_44, %dma_wait3A_45] : memref<819200x128xf32, #tpu.memory_space<hbm>> -> memref<128x128xf32, #tpu.memory_space<hbm>>
    %dma_wait3A_47 = arith.constant 0 : i32
    %dma_wait3A_48 = tpu.memref_slice %arg4[%add3A_44, %dma_wait3A_47] : memref<819200x128xf32, #tpu.memory_space<hbm>> -> memref<128x128xf32, #tpu.memory_space<hbm>>
    tpu.wait_dma2 semaphore(%arg15 : memref<!tpu.dma_semaphore, #tpu.memory_space<semaphore_mem>>) src(%arg7 : memref<128x128xf32, #tpu.memory_space<vmem>>) dst(%dma_wait3A_48 : memref<128x128xf32, #tpu.memory_space<hbm>>)
    %add3A_49 = arith.constant 25344 : i32
    %add3A_50 = arith.addi %mul3A_4, %add3A_49 : i32
    %dma_wait3A_51 = arith.constant 0 : i32
    %dma_wait3A_52 = tpu.memref_slice %arg4[%add3A_50, %dma_wait3A_51] : memref<819200x128xf32, #tpu.memory_space<hbm>> -> memref<128x128xf32, #tpu.memory_space<hbm>>
    %dma_wait3A_53 = arith.constant 0 : i32
    %dma_wait3A_54 = tpu.memref_slice %arg4[%add3A_50, %dma_wait3A_53] : memref<819200x128xf32, #tpu.memory_space<hbm>> -> memref<128x128xf32, #tpu.memory_space<hbm>>
    tpu.wait_dma2 semaphore(%arg16 : memref<!tpu.dma_semaphore, #tpu.memory_space<semaphore_mem>>) src(%arg8 : memref<128x128xf32, #tpu.memory_space<vmem>>) dst(%dma_wait3A_54 : memref<128x128xf32, #tpu.memory_space<hbm>>)
    %add3A_55 = arith.constant 25472 : i32
    %add3A_56 = arith.addi %mul3A_4, %add3A_55 : i32
    %dma_wait3A_57 = arith.constant 0 : i32
    %dma_wait3A_58 = tpu.memref_slice %arg4[%add3A_56, %dma_wait3A_57] : memref<819200x128xf32, #tpu.memory_space<hbm>> -> memref<128x128xf32, #tpu.memory_space<hbm>>
    %dma_wait3A_59 = arith.constant 0 : i32
    %dma_wait3A_60 = tpu.memref_slice %arg4[%add3A_56, %dma_wait3A_59] : memref<819200x128xf32, #tpu.memory_space<hbm>> -> memref<128x128xf32, #tpu.memory_space<hbm>>
    tpu.wait_dma2 semaphore(%arg17 : memref<!tpu.dma_semaphore, #tpu.memory_space<semaphore_mem>>) src(%arg9 : memref<128x128xf32, #tpu.memory_space<vmem>>) dst(%dma_wait3A_60 : memref<128x128xf32, #tpu.memory_space<hbm>>)
    return
  }
}

</mosaic_0001>

<sc_bundles>
// kernel: _lookup.3.cloned.1.call-start
scs
__scs_entry_jumppad:
0x0: {  	(pc) =	sbr.rel $0x88, $3  }
0x1: {  	(tag) =	ssettag $0x0;
	lr =	simm.s32 $0x1  }
0x2: {  	[smem:$0x3F9F] =	sst lr;
	_ =	strace $0xD0000000  }
0x3: {  	_ = 	snop  }
0x4: {  	_ = 	snop  }
0x5: {  	_ = 	snop  }
0x6: {  	_ = 	snop  }
0x7: {  	_ = 	snop  }
__scs_overlays_trampoline_lowered:
0x8: {  	[smem:$0x3FAE] =	sst s0  }
0x9: {  	[smem:$0x3FAF] =	sst s1  }
0xa: {  	[smem:$0x3FB0] =	sst s2  }
0xb: {  	[smem:$0x3FB1] =	sst s3  }
0xc: {  	[smem:$0x3FB2] =	sst s4  }
0xd: {  	[smem:$0x3FB3] =	sst s5  }
0xe: {  	[smem:$0x3FB4] =	sst s6  }
0xf: {  	[smem:$0x3FB5] =	sst s7  }
0x10: {  	[smem:$0x3FB6] =	sst s8  }
0x11: {  	[smem:$0x3FB7] =	sst s9;
	s0 =	simm.s32 @!p0 $0x0  }
0x12: {  	s1 =	sld [smem:$0x3F9D];
	s0 =	simm.s32 @p0 $0x1  }
0x13: {  	[smem:$0x3FB8] =	sst s0;
	s0 =	simm.s32 @!p1 $0x0  }
0x14: {  	s2 =	sld [smem:$0x3F9C];
	s0 =	simm.s32 @p1 $0x1  }
0x15: {  	[smem:$0x3FB9] =	sst s0;
	s0 =	simm.s32 @!p2 $0x0  }
0x16: {  	s3 =	sld [smem:$0x3FDB];
	s0 =	simm.s32 @p2 $0x1  }
0x17: {  	s4 =	simm.s32 $0x1BF5;
	[smem:$0x3FBB] =	sst s0  }
0x18: {  	s0 =	sld [smem:$0x3F9E];
	_ =	swait.ge [sflag:s4], $0x0  }
0x19: {  	s7 =	sld [smem:$0x3F9F]  }
0x1a: {  	s8 =	sadd.s32 $0xFFFFE003, lr  }
0x1b: {  	s9 =	sadd.s32 $0xFFFFFEF7, lr;
	s5 =	simm.s32 $0xFFFFFFFF;
	p2 =	slt.u32 s8, $0xFFFFF086  }
0x1c: {  	p1 =	slt.u32 s9, $0xF7A;
	s5 =	simm.s32 @!p2 $0x0  }
0x1d: {  	s5 =	simm.s32 @p1 $0x1;
	p0 =	seq.s32 s7, s2  }
0x1e: {  	s7 =	smul.u32 @!p0 $0xF7A, s2;
	p2 =	seq.s32 @!p0 s5, $0x0  }
0x1f: {  	s9 =	smul.u32 $0xF7A, s1;
	s8 =	simm.s32 @!p0 $0x1BF5;
	p2 =	por !p2, p0  }
0x20: {  	[sflag:s8] =	ssyncset.s32 @!p0 $0xFFFFF086;
	s6 =	sadd.s32 @!p0 s3, s7;
	s7 =	simm.s32 @!p0 $0x108  }
0x21: {  	s3 =	sadd.s32 s3, s9;
	s6 =	sadd.s32 @!p0 $0x88, s6;
	s7 =	simm.s32 @p2 $0x1082  }
0x22: {  	[simem:s7], [sflag:s8] =	dma.local @!p0 [hbm:s6], $0xF7A  }
0x23: {  	s9 =	sor.u32 $0xD0000000, s2;
	s6 =	simm.s32 $0x108;
	_ =	swait.ge @!p0 [sflag:s8], $0x0  }
0x24: {  	s3 =	sadd.s32 $0x88, s3;
	s6 =	simm.s32 @!p1 $0x1082;
	[sflag:s4] =	ssyncset.s32 $0xFFFFF086  }
0x25: {  	[simem:s6], [sflag:s4] =	dma.local [hbm:s3], $0xF7A  }
0x26: {  	[smem:$0x3F9F] =	sst s1;
	(tag) =	ssettag s2;
	_ =	strace s9  }
0x27: {  	s1 =	sld [smem:$0x3FAF]  }
0x28: {  	s2 =	sld [smem:$0x3FB0]  }
0x29: {  	s4 =	sld [smem:$0x3FB2]  }
0x2a: {  	p0 =	seq.s32 s5, $0x0;
	s5 =	sld [smem:$0x3FB3]  }
0x2b: {  	s6 =	sld [smem:$0x3FB4]  }
0x2c: {  	s7 =	sld [smem:$0x3FB5]  }
0x2d: {  	s3 =	simm.s32 $0x108;
	s8 =	sld [smem:$0x3FB6]  }
0x2e: {  	s3 =	simm.s32 @!p0 $0x1082;
	s9 =	sld [smem:$0x3FB7]  }
0x2f: {  	lr =	sadd.s32 s0, s3;
	s0 =	sld [smem:$0x3FAE]  }
0x30: {  	s3 =	sld [smem:$0x3FB1]  }
0x31: {  	[smem:$0x3FBA] =	sst s10  }
0x32: {  	s10 =	sld [smem:$0x3FB8];
	_ =	sdelay $0x3  }
0x33: {  	p0 =	seq.s32 s10, $0x1;
	s10 =	sld [smem:$0x3FBA];
	_ =	sdelay $0x3  }
0x34: {  	[smem:$0x3FBA] =	sst s10  }
0x35: {  	s10 =	sld [smem:$0x3FB9];
	_ =	sdelay $0x3  }
0x36: {  	p1 =	seq.s32 s10, $0x1;
	s10 =	sld [smem:$0x3FBA];
	_ =	sdelay $0x3  }
0x37: {  	[smem:$0x3FBA] =	sst s10  }
0x38: {  	s10 =	sld [smem:$0x3FBB]  }
0x39: {  	_ = 	snop;
	(pc) =	sbr.ind lr, $3  }
0x3a: {  	_ = 	snop  }
0x3b: {  	_ = 	snop  }
0x3c: {  	p2 =	seq.s32 s10, $0x1;
	s10 =	sld [smem:$0x3FBA]  }
0x3d: {  	_ =	shalt  }
0x3e: {  	_ =	shalt  }
0x3f: {  	_ =	shalt  }
0x40: {  	_ =	shalt  }
0x41: {  	_ =	shalt  }
0x42: {  	_ =	shalt  }
0x43: {  	_ =	shalt  }
0x44: {  	_ =	shalt  }
0x45: {  	_ =	shalt  }
0x46: {  	_ =	shalt  }
0x47: {  	_ =	shalt  }
0x48: {  	_ =	shalt  }
0x49: {  	_ =	shalt  }
0x4a: {  	_ =	shalt  }
0x4b: {  	_ =	shalt  }
0x4c: {  	_ =	shalt  }
0x4d: {  	_ =	shalt  }
0x4e: {  	_ =	shalt  }
0x4f: {  	_ =	shalt  }
0x50: {  	_ =	shalt  }
0x51: {  	_ =	shalt  }
0x52: {  	_ =	shalt  }
0x53: {  	_ =	shalt  }
0x54: {  	_ =	shalt  }
0x55: {  	_ =	shalt  }
0x56: {  	_ =	shalt  }
0x57: {  	_ =	shalt  }
0x58: {  	_ =	shalt  }
0x59: {  	_ =	shalt  }
0x5a: {  	_ =	shalt  }
0x5b: {  	_ =	shalt  }
0x5c: {  	_ =	shalt  }
0x5d: {  	_ =	shalt  }
0x5e: {  	_ =	shalt  }
0x5f: {  	_ =	shalt  }
0x60: {  	_ =	shalt  }
0x61: {  	_ =	shalt  }
0x62: {  	_ =	shalt  }
0x63: {  	_ =	shalt  }
0x64: {  	_ =	shalt  }
0x65: {  	_ =	shalt  }
0x66: {  	_ =	shalt  }
0x67: {  	_ =	shalt  }
0x68: {  	_ =	shalt  }
0x69: {  	_ =	shalt  }
0x6a: {  	_ =	shalt  }
0x6b: {  	_ =	shalt  }
0x6c: {  	_ =	shalt  }
0x6d: {  	_ =	shalt  }
0x6e: {  	_ =	shalt  }
0x6f: {  	_ =	shalt  }
0x70: {  	_ =	shalt  }
0x71: {  	_ =	shalt  }
0x72: {  	_ =	shalt  }
0x73: {  	_ =	shalt  }
0x74: {  	_ =	shalt  }
0x75: {  	_ =	shalt  }
0x76: {  	_ =	shalt  }
0x77: {  	_ =	shalt  }
0x78: {  	_ =	shalt  }
0x79: {  	_ =	shalt  }
0x7a: {  	_ =	shalt  }
0x7b: {  	_ =	shalt  }
0x7c: {  	_ =	shalt  }
0x7d: {  	_ =	shalt  }
0x7e: {  	_ =	shalt  }
0x7f: {  	_ =	shalt  }
0x80: {  	_ =	shalt  }
0x81: {  	_ =	shalt  }
0x82: {  	_ =	shalt  }
0x83: {  	_ =	shalt  }
0x84: {  	_ =	shalt  }
0x85: {  	_ =	shalt  }
0x86: {  	_ =	shalt  }
0x87: {  	_ =	shalt  }
.Lfunc_end0:
.L_simem_size_0:
called_computation_lowered:
.L_overlay_start_0:
0x88: {  	s2 =	sld [smem:$0x3FD9]  }
0x89: {  	s3 =	sld [smem:$0x3FFE];
	_ =	sdelay $0x1  }
0x8a: {  	s1 =	srdreg.scid  }
0x8b: {  	s0 =	sand.u32 $0x1, s1  }
0x8c: {  	s18 =	sshll.u32 s0, $0xA;
	s2 =	sadd.s32 s3, s2  }
0x8d: {  	s2 =	sadd.s32 s2, s18  }
0x8e: {  	[smem:$0x3FC6] =	sst s2  }
0x8f: {  	_ = 	snop  }
0x90: {  	s2 =	sld [smem:$0x3FC9]  }
0x91: {  	s19 =	sld [smem:$0x3FC8]  }
0x92: {  	s4 =	sld [smem:$0x3FD0];
	(tm) =	ssettm $0x1  }
0x93: {  	s5 =	sld [smem:$0x3FFB];
	_ =	sdelay $0x3  }
0x94: {  	_ =	strace s5  }
0x95: {  	s5 =	sld [smem:$0x3FFC];
	_ =	sdelay $0x3  }
0x96: {  	_ =	strace s5  }
0x97: {  	s5 =	sld [smem:$0x3FFD];
	_ =	sdelay $0x3  }
0x98: {  	_ =	strace s5  }
0x99: {  	_ =	strace $0x8FFFFFFF  }
0x9a: {  	s20 =	sld [smem:$0x3FDB];
	_ =	sdelay $0x1  }
0x9b: {  	s6 =	simm.s32 $_scs_section_size  }
0x9c: {  	s7 =	simm.s32 $_size__tile_overlayer_lowered;
	s8 =	simm.s32 $_tile_overlayer_lowered  }
0x9d: {  	s23 =	simm.s32 $0x1BFF;
	s22 =	sshll.u32 s8, $0x1;
	s5 =	sadd.s32 s6, s20  }
0x9e: {  	s9 =	simm.s32 $0x0;
	s21 =	sshll.u32 s7, $0x1;
	s7 =	sadd.s32 s22, s5  }
0x9f: {  	[timem:s9], [sflag:s23] =	dma.local [hbm:s7], s21  }
0xa0: {  	_ =	swait.ge [sflag:s23], s21  }
0xa1: {  	s6 =	ssub.s32 $0x0, s21;
	[sflag:s23] =	ssyncset.done $0x0  }
0xa2: {  	[sflag:s23] =	ssyncadd.s32 s6;
	_ =	sdelay $0x1  }
0xa3: {  	s24 =	simm.s32 $0x1B8B  }
0xa4: {  	_ =	swait.ge [sflag:s24], $0x1  }
0xa5: {  	[sflag:s24] =	ssyncset.done $0x0  }
0xa6: {  	s25 =	simm.s32 $0x1B8E;
	[sflag:s24] =	ssyncadd.s32 $0xFFFFFFFF  }
0xa7: {  	s26 =	simm.s32 $execute0_lowered;
	[smem:$0x3FD2] =	sst s25  }
0xa8: {  	s6 =	sshll.u32 s26, $0x1;
	_ =	strace $0x80000046;
	[dreg:$0x1] =	wrdreg $0xFFFFFFFF  }
0xa9: {  	s28 =	simm.s32 $_size_execute0_lowered;
	s5 =	sadd.s32 s5, s6;
	[dreg:$0x0] =	wrdreg $0x0  }
0xaa: {  	s6 =	sshll.u32 s28, $0x1;
	[dreg:$0x2] =	wrdreg s5  }
0xab: {  	[dreg:$0x3] =	wrdreg s6  }
0xac: {  	[dreg:$0x4] =	wrdreg $0xC0  }
0xad: {  	_ =	task [dreg:s9], $0x5FFFF  }
0xae: {  	[dreg:$0x1] =	wrdreg $0xFFFFFFFF  }
0xaf: {  	[dreg:$0x0] =	wrdreg $0x60  }
0xb0: {  	[dreg:$0x2] =	wrdreg s2  }
0xb1: {  	[dreg:$0x3] =	wrdreg s19  }
0xb2: {  	[dreg:$0x4] =	wrdreg s4  }
0xb3: {  	[dreg:$0x5] =	wrdreg $0x9  }
0xb4: {  	_ =	task.clear_ibuf [dreg:s9], $0x6FFFF;
	_ =	strace $0x90000046  }
0xb5: {  	s29 =	simm.s32 $0x9;
	_ =	strace $0x80000048  }
0xb6: {  	_ =	swait.ge [sflag:s29], $0x1  }
0xb7: {  	[sflag:s29] =	ssyncadd.s32 $0xFFFFFFFF  }
0xb8: {  	_ =	strace $0x90000048  }
0xb9: {  	_ =	sfence  }
0xba: {  	s30 =	sld [smem:$0x0];
	_ =	sdelay $0x2  }
0xbb: {  	s31 =	sshll.u32 s1, $0xD;
	s1 =	sshrl.u32 s1, $0x2  }
0xbc: {  	s3 =	sand.u32 $0x4000, s31;
	s1 =	sadd.s32 s1, s30  }
0xbd: {  	s0 =	sor.u32 s3, s0;
	s1 =	sshll.u32 s1, $0x11  }
0xbe: {  	s0 =	sor.u32 s1, s0  }
0xbf: {  	s0 =	sadd.s32 $0x8F2B, s0  }
0xc0: {  	[sflag:s0] =	ssyncadd.remote.s32 $0x1  }
0xc1: {  	_ =	sfence.sel $0xFFFF  }
0xc2: {  	[dreg:$0x0] =	wrdreg $0xFFFFFFFF;
	(pc) =	sbr.abs _section_cstart, $3  }
0xc3: {  	[dreg:$0x1] =	wrdreg $0xFFFFFFFF  }
0xc4: {  	_ =	task.clear_ibuf [dreg:s9], $0x2FFFF;
	_ =	strace $0x9FFFFFFF  }
0xc5: {  	(tm) =	ssettm $0x7FFFFFFF  }
tec
execute0_lowered:
.L_overlay_start_1:
0x0: {  	(tag) =	ssettag $0x1  }
0x1: {  	s0 =	rddreg [dreg:$0x0]  }
0x2: {  	s2 =	rddreg [dreg:$0x1]  }
0x3: {  	s1 =	srdreg.scid;
	s4 =	stileid.u32  }
0x4: {  	s3 =	rddreg [dreg:$0x2];
	s10 =	simm.s32 $0x9;
	s11 =	simm.s32 $0x80  }
0x5: {  	s12 =	simm.s32 $0x6400;
	s13 =	simm.s32 $0xA400;
	s15 =	simm.s32 $0xE400  }
0x6: {  	s16 =	simm.s32 $0x180;
	s17 =	simm.s32 $0x12400;
	s18 =	simm.s32 $0x1  }
0x7: {  	s19 =	simm.s32 $0x2;
	s20 =	simm.s32 $0x3;
	s21 =	simm.s32 $0x4  }
0x8: {  	s22 =	simm.s32 $0x5;
	s23 =	simm.s32 $0x6;
	s24 =	simm.s32 $0x7  }
0x9: {  	s25 =	simm.s32 $0x8;
	s1 =	sand.u32 $0x1, s1;
	s4 =	sshll.u32 s4, $0x1  }
.Ltmp0:
0xa: {  	s26 =	simm.s32 $0x0;
	s5 =	sor.u32 s1, s4;
	(pc) =	sbr.rel .LBB2_1-.Ltmp0, $4  }
0xb: {  	s4 =	simm.s32 $0x0;
	s1 =	ssub.s32 $0x2, s1;
	s6 =	smul.u32 $0xC80, s5  }
0xc: {  	[smem:$0x7FF] =	sst s4;
	s7 =	sshrl.u32 s1, $0x1;
	s5 =	smul.u32 $0x320000, s5  }
0xd: {  	_ =	strace $0x80000047;
	s1 =	ssub.s32 s1, s7;
	s6 =	sadd.s32 s0, s6  }
0xe: {  	s7 =	sor.u32 $0x4000, s5;
	s8 =	sor.u32 $0x8000, s5;
	s9 =	smax.u32 s1, $0x1  }
.LBB2_12:
0xf: {  	_ =	swait.ge [sflag:s22], $0x4000  }
0x10: {  	[sflag:s22] =	ssyncset.done $0x0  }
0x11: {  	[sflag:s22] =	ssyncadd.s32 $0xFFFFC000  }
0x12: {  	_ =	swait.ge [sflag:s23], $0x4000  }
0x13: {  	[sflag:s23] =	ssyncset.done $0x0  }
0x14: {  	s26 =	sadd.s32 $0x1, s26;
	[sflag:s23] =	ssyncadd.s32 $0xFFFFC000  }
0x15: {  	p0 =	sne.s32 s26, s9;
	_ =	swait.ge [sflag:s24], $0x4000  }
.Ltmp1:
0x16: {  	[sflag:s24] =	ssyncset.done $0x0;
	(pc) =	sbr.rel @!p0 .LBB2_13-.Ltmp1, $4  }
0x17: {  	[sflag:s24] =	ssyncadd.s32 $0xFFFFC000  }
0x18: {  	_ =	swait.ge [sflag:s25], $0x4000  }
0x19: {  	[sflag:s25] =	ssyncset.done $0x0  }
0x1a: {  	[sflag:s25] =	ssyncadd.s32 $0xFFFFC000  }
.LBB2_1:
0x1b: {  	[tilespmem:s4], [sflag:$0x9] =	stream.linear.gather [hbm4b:s6+s4], $0x6400, $0x38;
	[tilespmem:$0x16400] =	vst v63  }
0x1c: {  	_ =	swait.ge [sflag:s10], $0x6400  }
0x1d: {  	[sflag:s10] =	ssyncset.done $0x0  }
0x1e: {  	[sflag:s10] =	ssyncadd.s32 $0xFFFF9C00  }
0x1f: {  	[tilespmem:s12], [sflag:$0x1] =	stream.indirect.gather [hbm4b:s2+s11], $0x80, s4, s11, $0xb8;
	[tilespmem:$0x16400] =	vst v63  }
0x20: {  	_ = 	snop  }
0x21: {  	[tilespmem:s13], [sflag:$0x2] =	stream.indirect.gather [hbm4b:s2+s11], $0x80, s11, s11, $0xb8;
	[tilespmem:$0x16400] =	vst v63  }
0x22: {  	s0 =	simm.s32 $0x100  }
0x23: {  	[tilespmem:s15], [sflag:$0x3] =	stream.indirect.gather [hbm4b:s2+s11], $0x80, s0, s11, $0xb8;
	[tilespmem:$0x16400] =	vst v63  }
0x24: {  	s28 =	simm.s32 $0x0  }
0x25: {  	[tilespmem:s17], [sflag:$0x4] =	stream.indirect.gather [hbm4b:s2+s11], $0x80, s16, s11, $0xb8;
	[tilespmem:$0x16400] =	vst v63  }
.LBB2_2:
0x26: {  	_ =	swait.ge [sflag:s18], $0x4000  }
0x27: {  	[sflag:s18] =	ssyncset.done $0x0  }
0x28: {  	s29 =	simm.s32 $0x6500;
	[sflag:s18] =	ssyncadd.s32 $0xFFFFC000  }
0x29: {  	v0 =	vld [tilespmem:s29+$0xF0]  }
0x2a: {  	v1 =	vld [tilespmem:s29+$0xFFFFFF10]  }
0x2b: {  	v2 =	vld [tilespmem:s29+$0xFFFFFF20]  }
0x2c: {  	v3 =	vld [tilespmem:s29+$0xFFFFFF30]  }
0x2d: {  	v6 =	vld [tilespmem:s29+$0xFFFFFF60]  }
0x2e: {  	v4 =	vld [tilespmem:s29+$0xFFFFFF40]  }
0x2f: {  	v5 =	vld [tilespmem:s29+$0xFFFFFF50];
	v0 =	vmul.f32 $1.131370830e+01, v0  }
0x30: {  	v8 =	vld [tilespmem:s29+$0xFFFFFF80];
	v1 =	vmul.f32 $1.131370830e+01, v1  }
0x31: {  	v7 =	vld [tilespmem:s29+$0xFFFFFF70];
	v2 =	vmul.f32 $1.131370830e+01, v2;
	[tilespmem:s29+$0xF0] =	vst v0  }
0x32: {  	v6 =	vmul.f32 $1.131370830e+01, v6;
	v0 =	vld [tilespmem:s29+$0xFFFFFF90];
	[tilespmem:s29+$0xFFFFFF10] =	vst v1  }
0x33: {  	v1 =	vmul.f32 $1.131370830e+01, v3;
	v3 =	vld [tilespmem:s29+$0xFFFFFFA0];
	[tilespmem:s29+$0xFFFFFF20] =	vst v2;
	v2 =	vmul.f32 $1.131370830e+01, v4  }
0x34: {  	[tilespmem:s29+$0xFFFFFF60] =	vst v6;
	v6 =	vld [tilespmem:s29+$0xFFFFFFF0]  }
0x35: {  	v4 =	vld [tilespmem:s29+$0xFFFFFFB0];
	[tilespmem:s29+$0xFFFFFF40] =	vst v2;
	v2 =	vmul.f32 $1.131370830e+01, v8  }
0x36: {  	[tilespmem:s29+$0xFFFFFF30] =	vst v1;
	v1 =	vmul.f32 $1.131370830e+01, v5;
	v5 =	vld [tilespmem:s29+$0xFFFFFFC0]  }
0x37: {  	v8 =	vld [tilespmem:s29+$0xFFFFFFD0];
	[tilespmem:s29+$0xFFFFFF80] =	vst v2;
	v2 =	vmul.f32 $1.131370830e+01, v7  }
0x38: {  	[tilespmem:s29+$0xFFFFFF50] =	vst v1;
	v1 =	vld [tilespmem:s29+$0xFFFFFFE0];
	v0 =	vmul.f32 $1.131370830e+01, v0  }
0x39: {  	v7 =	vld [tilespmem:s29+$0x30];
	v6 =	vmul.f32 $1.131370830e+01, v6;
	[tilespmem:s29+$0xFFFFFF70] =	vst v2  }
0x3a: {  	v2 =	vmul.f32 $1.131370830e+01, v3;
	v3 =	vld [tilespmem:s29+$0x0];
	[tilespmem:s29+$0xFFFFFF90] =	vst v0  }
0x3b: {  	v0 =	vmul.f32 $1.131370830e+01, v4;
	v4 =	vld [tilespmem:s29+$0x10];
	[tilespmem:s29+$0xFFFFFFF0] =	vst v6  }
0x3c: {  	[tilespmem:s29+$0xFFFFFFA0] =	vst v2;
	v2 =	vmul.f32 $1.131370830e+01, v5;
	v5 =	vld [tilespmem:s29+$0x20]  }
0x3d: {  	v6 =	vld [tilespmem:s29+$0x80];
	[tilespmem:s29+$0xFFFFFFB0] =	vst v0;
	v0 =	vmul.f32 $1.131370830e+01, v8  }
0x3e: {  	v1 =	vmul.f32 $1.131370830e+01, v1;
	[tilespmem:s29+$0xFFFFFFC0] =	vst v2;
	v2 =	vld [tilespmem:s29+$0x40]  }
0x3f: {  	[tilespmem:s29+$0xFFFFFFD0] =	vst v0;
	v0 =	vmul.f32 $1.131370830e+01, v3  }
0x40: {  	v3 =	vld [tilespmem:s29+$0x50];
	[tilespmem:s29+$0xFFFFFFE0] =	vst v1;
	v4 =	vmul.f32 $1.131370830e+01, v4  }
0x41: {  	v1 =	vld [tilespmem:s29+$0x60];
	[tilespmem:s29+$0x0] =	vst v0;
	v0 =	vmul.f32 $1.131370830e+01, v5  }
0x42: {  	v6 =	vmul.f32 $1.131370830e+01, v6;
	v5 =	vld [tilespmem:s29+$0x70];
	[tilespmem:s29+$0x10] =	vst v4  }
0x43: {  	v4 =	vmul.f32 $1.131370830e+01, v7;
	v7 =	vld [tilespmem:s29+$0x90];
	[tilespmem:s29+$0x20] =	vst v0;
	v0 =	vmul.f32 $1.131370830e+01, v2  }
0x44: {  	v8 =	vld [tilespmem:s29+$0xA0];
	[tilespmem:s29+$0x80] =	vst v6  }
0x45: {  	v2 =	vmul.f32 $1.131370830e+01, v3;
	[tilespmem:s29+$0x40] =	vst v0;
	v0 =	vld [tilespmem:s29+$0xB0]  }
0x46: {  	[tilespmem:s29+$0x30] =	vst v4;
	v3 =	vmul.f32 $1.131370830e+01, v1;
	v1 =	vld [tilespmem:s29+$0xC0]  }
0x47: {  	[tilespmem:s29+$0x50] =	vst v2;
	v4 =	vmul.f32 $1.131370830e+01, v5;
	v2 =	vld [tilespmem:s29+$0xD0]  }
0x48: {  	[tilespmem:s29+$0x60] =	vst v3;
	v3 =	vld [tilespmem:s29+$0xE0];
	v5 =	vmul.f32 $1.131370830e+01, v7  }
0x49: {  	s1 =	simm.s32 $0x0;
	s0 =	simm.s32 $0x6700;
	v6 =	vmul.f32 $1.131370830e+01, v8;
	[tilespmem:s29+$0x70] =	vst v4;
	v4 =	vld [tilespmem:s29+$0xFFFFFF00]  }
.LBB2_3:
0x4a: {  	v7 =	vld [tilespmem:s0+$0xF0];
	s1 =	sadd.s32 $0x4, s1;
	[tilespmem:s29+$0x90] =	vst v5;
	v0 =	vmul.f32 $1.131370830e+01, v0  }
0x4b: {  	v5 =	vld [tilespmem:s0+$0xFFFFFF10];
	p0 =	slt.u32 s1, $0x7C;
	[tilespmem:s29+$0xA0] =	vst v6;
	v1 =	vmul.f32 $1.131370830e+01, v1  }
0x4c: {  	v6 =	vld [tilespmem:s0+$0xFFFFFF20];
	[tilespmem:s29+$0xB0] =	vst v0;
	v0 =	vmul.f32 $1.131370830e+01, v2  }
0x4d: {  	v2 =	vld [tilespmem:s0+$0xFFFFFF30];
	[tilespmem:s29+$0xC0] =	vst v1;
	v1 =	vmul.f32 $1.131370830e+01, v3  }
0x4e: {  	v3 =	vld [tilespmem:s0+$0xFFFFFF40];
	v4 =	vmul.f32 $1.131370830e+01, v4;
	[tilespmem:s29+$0xD0] =	vst v0  }
0x4f: {  	v0 =	vld [tilespmem:s0+$0xFFFFFF50];
	v7 =	vmul.f32 $1.131370830e+01, v7;
	[tilespmem:s29+$0xE0] =	vst v1  }
0x50: {  	v1 =	vmul.f32 $1.131370830e+01, v5;
	v5 =	vld [tilespmem:s0+$0xFFFFFF60];
	[tilespmem:s29+$0xFFFFFF00] =	vst v4;
	s29 =	smov.u32 s0  }
0x51: {  	v4 =	vmul.f32 $1.131370830e+01, v6;
	v6 =	vld [tilespmem:s0+$0xFFFFFF70];
	[tilespmem:s0+$0xF0] =	vst v7  }
0x52: {  	[tilespmem:s0+$0xFFFFFF10] =	vst v1;
	v1 =	vmul.f32 $1.131370830e+01, v2;
	v2 =	vld [tilespmem:s0+$0xFFFFFF80]  }
0x53: {  	[tilespmem:s0+$0xFFFFFF20] =	vst v4;
	v3 =	vmul.f32 $1.131370830e+01, v3;
	v4 =	vld [tilespmem:s0+$0xFFFFFF90]  }
0x54: {  	[tilespmem:s0+$0xFFFFFF30] =	vst v1;
	v0 =	vmul.f32 $1.131370830e+01, v0;
	v1 =	vld [tilespmem:s0+$0xFFFFFFA0]  }
0x55: {  	[tilespmem:s0+$0xFFFFFF40] =	vst v3;
	v3 =	vmul.f32 $1.131370830e+01, v5;
	v5 =	vld [tilespmem:s0+$0xFFFFFFB0]  }
0x56: {  	[tilespmem:s0+$0xFFFFFF50] =	vst v0;
	v0 =	vmul.f32 $1.131370830e+01, v6;
	v6 =	vld [tilespmem:s0+$0xFFFFFFC0]  }
0x57: {  	[tilespmem:s0+$0xFFFFFF60] =	vst v3;
	v2 =	vmul.f32 $1.131370830e+01, v2;
	v3 =	vld [tilespmem:s0+$0xFFFFFFD0]  }
0x58: {  	[tilespmem:s0+$0xFFFFFF70] =	vst v0;
	v0 =	vmul.f32 $1.131370830e+01, v4;
	v4 =	vld [tilespmem:s0+$0xFFFFFFE0]  }
0x59: {  	[tilespmem:s0+$0xFFFFFF80] =	vst v2;
	v1 =	vmul.f32 $1.131370830e+01, v1;
	v2 =	vld [tilespmem:s0+$0xFFFFFFF0]  }
0x5a: {  	[tilespmem:s0+$0xFFFFFF90] =	vst v0;
	v0 =	vmul.f32 $1.131370830e+01, v5;
	v5 =	vld [tilespmem:s0+$0x0]  }
0x5b: {  	[tilespmem:s0+$0xFFFFFFA0] =	vst v1;
	v1 =	vmul.f32 $1.131370830e+01, v6;
	v6 =	vld [tilespmem:s0+$0x10]  }
0x5c: {  	[tilespmem:s0+$0xFFFFFFB0] =	vst v0;
	v0 =	vmul.f32 $1.131370830e+01, v3;
	v3 =	vld [tilespmem:s0+$0x20]  }
0x5d: {  	[tilespmem:s0+$0xFFFFFFC0] =	vst v1;
	v1 =	vmul.f32 $1.131370830e+01, v4;
	v4 =	vld [tilespmem:s0+$0x30]  }
0x5e: {  	[tilespmem:s0+$0xFFFFFFD0] =	vst v0;
	v0 =	vmul.f32 $1.131370830e+01, v2;
	v2 =	vld [tilespmem:s0+$0x40]  }
0x5f: {  	[tilespmem:s0+$0xFFFFFFE0] =	vst v1;
	v1 =	vmul.f32 $1.131370830e+01, v5;
	v5 =	vld [tilespmem:s0+$0x50]  }
0x60: {  	[tilespmem:s0+$0xFFFFFFF0] =	vst v0;
	v0 =	vmul.f32 $1.131370830e+01, v6;
	v6 =	vld [tilespmem:s0+$0x60]  }
0x61: {  	[tilespmem:s0+$0x0] =	vst v1;
	v1 =	vmul.f32 $1.131370830e+01, v3;
	v3 =	vld [tilespmem:s0+$0x70]  }
0x62: {  	[tilespmem:s0+$0x10] =	vst v0;
	v0 =	vmul.f32 $1.131370830e+01, v4;
	v4 =	vld [tilespmem:s0+$0x80]  }
0x63: {  	[tilespmem:s0+$0x20] =	vst v1;
	v1 =	vmul.f32 $1.131370830e+01, v2;
	v7 =	vld [tilespmem:s0+$0x90]  }
0x64: {  	[tilespmem:s0+$0x30] =	vst v0;
	v2 =	vmul.f32 $1.131370830e+01, v5;
	v8 =	vld [tilespmem:s0+$0xA0]  }
.Ltmp2:
0x65: {  	[tilespmem:s0+$0x40] =	vst v1;
	v5 =	vmul.f32 $1.131370830e+01, v6;
	v0 =	vld [tilespmem:s0+$0xB0];
	(pc) =	sbr.rel @p0 .LBB2_3-.Ltmp2, $4  }
0x66: {  	[tilespmem:s0+$0x50] =	vst v2;
	v3 =	vmul.f32 $1.131370830e+01, v3;
	v1 =	vld [tilespmem:s0+$0xC0]  }
0x67: {  	[tilespmem:s0+$0x60] =	vst v5;
	v6 =	vmul.f32 $1.131370830e+01, v4;
	v2 =	vld [tilespmem:s0+$0xD0]  }
0x68: {  	[tilespmem:s0+$0x70] =	vst v3;
	v5 =	vmul.f32 $1.131370830e+01, v7;
	v3 =	vld [tilespmem:s0+$0xE0]  }
0x69: {  	s0 =	sadd.s32 $0x200, s0;
	v4 =	vld [tilespmem:s29+$0xFFFFFF00];
	[tilespmem:s29+$0x80] =	vst v6;
	v6 =	vmul.f32 $1.131370830e+01, v8  }
0x6a: {  	[tilespmem:s29+$0x90] =	vst v5;
	v0 =	vmul.f32 $1.131370830e+01, v0  }
0x6b: {  	[tilespmem:s29+$0xA0] =	vst v6;
	v1 =	vmul.f32 $1.131370830e+01, v1  }
0x6c: {  	[tilespmem:s29+$0xB0] =	vst v0;
	v0 =	vmul.f32 $1.131370830e+01, v2  }
0x6d: {  	s30 =	sshll.u32 s28, $0x10;
	[tilespmem:s29+$0xC0] =	vst v1;
	v1 =	vmul.f32 $1.131370830e+01, v3  }
0x6e: {  	s0 =	sadd.s32 s5, s30;
	v2 =	vmul.f32 $1.131370830e+01, v4;
	[tilespmem:s29+$0xD0] =	vst v0  }
0x6f: {  	s0 =	sshrl.u32 s0, $0x3;
	[tilespmem:s29+$0xE0] =	vst v1  }
0x70: {  	p0 =	seq.s32 s28, $0x0;
	s0 =	sadd.s32 s3, s0;
	[tilespmem:s29+$0xFFFFFF00] =	vst v2  }
0x71: {  	[hbm4b:s0+s4] =	stream.linear.scatter [tilespmem:s12], [sflag:$0x5], $0x4000, $0x38;
	[tilespmem:$0x16400] =	vst v63  }
0x72: {  	s0 =	simm.s32 @!p0 $0x8  }
0x73: {  	_ =	swait.ge @!p0 [sflag:s0], $0x4000  }
0x74: {  	s29 =	sshllo.u32 s28, $0x2;
	[sflag:s0] =	ssyncset.done @!p0 $0x0  }
0x75: {  	[sflag:s0] =	ssyncadd.s32 @!p0 $0xFFFFC000;
	s0 =	sshll.u32 @!p0 s29, $0x7  }
0x76: {  	s1 =	simm.s32 @!p0 $0x80;
	s14 =	simm.s32 @!p0 $0x12400;
	s0 =	sand.u32 @!p0 $0x3FFFFF80, s0  }
0x77: {  	[tilespmem:s14], [sflag:$0x4] =	stream.indirect.gather @!p0 [hbm4b:s2+s1], $0x80, s0, s1, $0xb8;
	[tilespmem:$0x16400] =	vst v63  }
0x78: {  	_ =	swait.ge [sflag:s19], $0x4000  }
0x79: {  	[sflag:s19] =	ssyncset.done $0x0  }
0x7a: {  	s31 =	simm.s32 $0xA500;
	[sflag:s19] =	ssyncadd.s32 $0xFFFFC000  }
0x7b: {  	v0 =	vld [tilespmem:s31+$0xF0]  }
0x7c: {  	v1 =	vld [tilespmem:s31+$0xFFFFFF10]  }
0x7d: {  	v2 =	vld [tilespmem:s31+$0xFFFFFF20]  }
0x7e: {  	v3 =	vld [tilespmem:s31+$0xFFFFFF30]  }
0x7f: {  	v6 =	vld [tilespmem:s31+$0xFFFFFF60]  }
0x80: {  	v4 =	vld [tilespmem:s31+$0xFFFFFF40]  }
0x81: {  	v5 =	vld [tilespmem:s31+$0xFFFFFF50];
	v0 =	vmul.f32 $1.131370830e+01, v0  }
0x82: {  	v8 =	vld [tilespmem:s31+$0xFFFFFF80];
	v1 =	vmul.f32 $1.131370830e+01, v1  }
0x83: {  	v7 =	vld [tilespmem:s31+$0xFFFFFF70];
	v2 =	vmul.f32 $1.131370830e+01, v2;
	[tilespmem:s31+$0xF0] =	vst v0  }
0x84: {  	v6 =	vmul.f32 $1.131370830e+01, v6;
	v0 =	vld [tilespmem:s31+$0xFFFFFF90];
	[tilespmem:s31+$0xFFFFFF10] =	vst v1  }
0x85: {  	v1 =	vmul.f32 $1.131370830e+01, v3;
	v3 =	vld [tilespmem:s31+$0xFFFFFFA0];
	[tilespmem:s31+$0xFFFFFF20] =	vst v2;
	v2 =	vmul.f32 $1.131370830e+01, v4  }
0x86: {  	[tilespmem:s31+$0xFFFFFF60] =	vst v6;
	v6 =	vld [tilespmem:s31+$0xFFFFFFF0]  }
0x87: {  	v4 =	vld [tilespmem:s31+$0xFFFFFFB0];
	[tilespmem:s31+$0xFFFFFF40] =	vst v2;
	v2 =	vmul.f32 $1.131370830e+01, v8  }
0x88: {  	[tilespmem:s31+$0xFFFFFF30] =	vst v1;
	v1 =	vmul.f32 $1.131370830e+01, v5;
	v5 =	vld [tilespmem:s31+$0xFFFFFFC0]  }
0x89: {  	v8 =	vld [tilespmem:s31+$0xFFFFFFD0];
	[tilespmem:s31+$0xFFFFFF80] =	vst v2;
	v2 =	vmul.f32 $1.131370830e+01, v7  }
0x8a: {  	[tilespmem:s31+$0xFFFFFF50] =	vst v1;
	v1 =	vld [tilespmem:s31+$0xFFFFFFE0];
	v0 =	vmul.f32 $1.131370830e+01, v0  }
0x8b: {  	v7 =	vld [tilespmem:s31+$0x30];
	v6 =	vmul.f32 $1.131370830e+01, v6;
	[tilespmem:s31+$0xFFFFFF70] =	vst v2  }
0x8c: {  	v2 =	vmul.f32 $1.131370830e+01, v3;
	v3 =	vld [tilespmem:s31+$0x0];
	[tilespmem:s31+$0xFFFFFF90] =	vst v0  }
0x8d: {  	v0 =	vmul.f32 $1.131370830e+01, v4;
	v4 =	vld [tilespmem:s31+$0x10];
	[tilespmem:s31+$0xFFFFFFF0] =	vst v6  }
0x8e: {  	[tilespmem:s31+$0xFFFFFFA0] =	vst v2;
	v2 =	vmul.f32 $1.131370830e+01, v5;
	v5 =	vld [tilespmem:s31+$0x20]  }
0x8f: {  	v6 =	vld [tilespmem:s31+$0x80];
	[tilespmem:s31+$0xFFFFFFB0] =	vst v0;
	v0 =	vmul.f32 $1.131370830e+01, v8  }
0x90: {  	v1 =	vmul.f32 $1.131370830e+01, v1;
	[tilespmem:s31+$0xFFFFFFC0] =	vst v2;
	v2 =	vld [tilespmem:s31+$0x40]  }
0x91: {  	[tilespmem:s31+$0xFFFFFFD0] =	vst v0;
	v0 =	vmul.f32 $1.131370830e+01, v3  }
0x92: {  	v3 =	vld [tilespmem:s31+$0x50];
	[tilespmem:s31+$0xFFFFFFE0] =	vst v1;
	v4 =	vmul.f32 $1.131370830e+01, v4  }
0x93: {  	v1 =	vld [tilespmem:s31+$0x60];
	[tilespmem:s31+$0x0] =	vst v0;
	v0 =	vmul.f32 $1.131370830e+01, v5  }
0x94: {  	v6 =	vmul.f32 $1.131370830e+01, v6;
	v5 =	vld [tilespmem:s31+$0x70];
	[tilespmem:s31+$0x10] =	vst v4  }
0x95: {  	v4 =	vmul.f32 $1.131370830e+01, v7;
	v7 =	vld [tilespmem:s31+$0x90];
	[tilespmem:s31+$0x20] =	vst v0;
	v0 =	vmul.f32 $1.131370830e+01, v2  }
0x96: {  	v8 =	vld [tilespmem:s31+$0xA0];
	[tilespmem:s31+$0x80] =	vst v6  }
0x97: {  	v2 =	vmul.f32 $1.131370830e+01, v3;
	[tilespmem:s31+$0x40] =	vst v0;
	v0 =	vld [tilespmem:s31+$0xB0]  }
0x98: {  	[tilespmem:s31+$0x30] =	vst v4;
	v3 =	vmul.f32 $1.131370830e+01, v1;
	v1 =	vld [tilespmem:s31+$0xC0]  }
0x99: {  	[tilespmem:s31+$0x50] =	vst v2;
	v4 =	vmul.f32 $1.131370830e+01, v5;
	v2 =	vld [tilespmem:s31+$0xD0]  }
0x9a: {  	[tilespmem:s31+$0x60] =	vst v3;
	v3 =	vld [tilespmem:s31+$0xE0];
	v5 =	vmul.f32 $1.131370830e+01, v7  }
0x9b: {  	s1 =	simm.s32 $0x0;
	s0 =	simm.s32 $0xA700;
	v6 =	vmul.f32 $1.131370830e+01, v8;
	[tilespmem:s31+$0x70] =	vst v4;
	v4 =	vld [tilespmem:s31+$0xFFFFFF00]  }
.LBB2_5:
0x9c: {  	v7 =	vld [tilespmem:s0+$0xF0];
	s1 =	sadd.s32 $0x4, s1;
	[tilespmem:s31+$0x90] =	vst v5;
	v0 =	vmul.f32 $1.131370830e+01, v0  }
0x9d: {  	v5 =	vld [tilespmem:s0+$0xFFFFFF10];
	p0 =	slt.u32 s1, $0x7C;
	[tilespmem:s31+$0xA0] =	vst v6;
	v1 =	vmul.f32 $1.131370830e+01, v1  }
0x9e: {  	v6 =	vld [tilespmem:s0+$0xFFFFFF20];
	[tilespmem:s31+$0xB0] =	vst v0;
	v0 =	vmul.f32 $1.131370830e+01, v2  }
0x9f: {  	v2 =	vld [tilespmem:s0+$0xFFFFFF30];
	[tilespmem:s31+$0xC0] =	vst v1;
	v1 =	vmul.f32 $1.131370830e+01, v3  }
0xa0: {  	v3 =	vld [tilespmem:s0+$0xFFFFFF40];
	v4 =	vmul.f32 $1.131370830e+01, v4;
	[tilespmem:s31+$0xD0] =	vst v0  }
0xa1: {  	v0 =	vld [tilespmem:s0+$0xFFFFFF50];
	v7 =	vmul.f32 $1.131370830e+01, v7;
	[tilespmem:s31+$0xE0] =	vst v1  }
0xa2: {  	v1 =	vmul.f32 $1.131370830e+01, v5;
	v5 =	vld [tilespmem:s0+$0xFFFFFF60];
	[tilespmem:s31+$0xFFFFFF00] =	vst v4;
	s31 =	smov.u32 s0  }
0xa3: {  	v4 =	vmul.f32 $1.131370830e+01, v6;
	v6 =	vld [tilespmem:s0+$0xFFFFFF70];
	[tilespmem:s0+$0xF0] =	vst v7  }
0xa4: {  	[tilespmem:s0+$0xFFFFFF10] =	vst v1;
	v1 =	vmul.f32 $1.131370830e+01, v2;
	v2 =	vld [tilespmem:s0+$0xFFFFFF80]  }
0xa5: {  	[tilespmem:s0+$0xFFFFFF20] =	vst v4;
	v3 =	vmul.f32 $1.131370830e+01, v3;
	v4 =	vld [tilespmem:s0+$0xFFFFFF90]  }
0xa6: {  	[tilespmem:s0+$0xFFFFFF30] =	vst v1;
	v0 =	vmul.f32 $1.131370830e+01, v0;
	v1 =	vld [tilespmem:s0+$0xFFFFFFA0]  }
0xa7: {  	[tilespmem:s0+$0xFFFFFF40] =	vst v3;
	v3 =	vmul.f32 $1.131370830e+01, v5;
	v5 =	vld [tilespmem:s0+$0xFFFFFFB0]  }
0xa8: {  	[tilespmem:s0+$0xFFFFFF50] =	vst v0;
	v0 =	vmul.f32 $1.131370830e+01, v6;
	v6 =	vld [tilespmem:s0+$0xFFFFFFC0]  }
0xa9: {  	[tilespmem:s0+$0xFFFFFF60] =	vst v3;
	v2 =	vmul.f32 $1.131370830e+01, v2;
	v3 =	vld [tilespmem:s0+$0xFFFFFFD0]  }
0xaa: {  	[tilespmem:s0+$0xFFFFFF70] =	vst v0;
	v0 =	vmul.f32 $1.131370830e+01, v4;
	v4 =	vld [tilespmem:s0+$0xFFFFFFE0]  }
0xab: {  	[tilespmem:s0+$0xFFFFFF80] =	vst v2;
	v1 =	vmul.f32 $1.131370830e+01, v1;
	v2 =	vld [tilespmem:s0+$0xFFFFFFF0]  }
0xac: {  	[tilespmem:s0+$0xFFFFFF90] =	vst v0;
	v0 =	vmul.f32 $1.131370830e+01, v5;
	v5 =	vld [tilespmem:s0+$0x0]  }
0xad: {  	[tilespmem:s0+$0xFFFFFFA0] =	vst v1;
	v1 =	vmul.f32 $1.131370830e+01, v6;
	v6 =	vld [tilespmem:s0+$0x10]  }
0xae: {  	[tilespmem:s0+$0xFFFFFFB0] =	vst v0;
	v0 =	vmul.f32 $1.131370830e+01, v3;
	v3 =	vld [tilespmem:s0+$0x20]  }
0xaf: {  	[tilespmem:s0+$0xFFFFFFC0] =	vst v1;
	v1 =	vmul.f32 $1.131370830e+01, v4;
	v4 =	vld [tilespmem:s0+$0x30]  }
0xb0: {  	[tilespmem:s0+$0xFFFFFFD0] =	vst v0;
	v0 =	vmul.f32 $1.131370830e+01, v2;
	v2 =	vld [tilespmem:s0+$0x40]  }
0xb1: {  	[tilespmem:s0+$0xFFFFFFE0] =	vst v1;
	v1 =	vmul.f32 $1.131370830e+01, v5;
	v5 =	vld [tilespmem:s0+$0x50]  }
0xb2: {  	[tilespmem:s0+$0xFFFFFFF0] =	vst v0;
	v0 =	vmul.f32 $1.131370830e+01, v6;
	v6 =	vld [tilespmem:s0+$0x60]  }
0xb3: {  	[tilespmem:s0+$0x0] =	vst v1;
	v1 =	vmul.f32 $1.131370830e+01, v3;
	v3 =	vld [tilespmem:s0+$0x70]  }
0xb4: {  	[tilespmem:s0+$0x10] =	vst v0;
	v0 =	vmul.f32 $1.131370830e+01, v4;
	v4 =	vld [tilespmem:s0+$0x80]  }
0xb5: {  	[tilespmem:s0+$0x20] =	vst v1;
	v1 =	vmul.f32 $1.131370830e+01, v2;
	v7 =	vld [tilespmem:s0+$0x90]  }
0xb6: {  	[tilespmem:s0+$0x30] =	vst v0;
	v2 =	vmul.f32 $1.131370830e+01, v5;
	v8 =	vld [tilespmem:s0+$0xA0]  }
.Ltmp3:
0xb7: {  	[tilespmem:s0+$0x40] =	vst v1;
	v5 =	vmul.f32 $1.131370830e+01, v6;
	v0 =	vld [tilespmem:s0+$0xB0];
	(pc) =	sbr.rel @p0 .LBB2_5-.Ltmp3, $4  }
0xb8: {  	[tilespmem:s0+$0x50] =	vst v2;
	v3 =	vmul.f32 $1.131370830e+01, v3;
	v1 =	vld [tilespmem:s0+$0xC0]  }
0xb9: {  	[tilespmem:s0+$0x60] =	vst v5;
	v6 =	vmul.f32 $1.131370830e+01, v4;
	v2 =	vld [tilespmem:s0+$0xD0]  }
0xba: {  	[tilespmem:s0+$0x70] =	vst v3;
	v5 =	vmul.f32 $1.131370830e+01, v7;
	v3 =	vld [tilespmem:s0+$0xE0]  }
0xbb: {  	s0 =	sadd.s32 $0x200, s0;
	v4 =	vld [tilespmem:s31+$0xFFFFFF00];
	[tilespmem:s31+$0x80] =	vst v6;
	v6 =	vmul.f32 $1.131370830e+01, v8  }
0xbc: {  	[tilespmem:s31+$0x90] =	vst v5;
	v0 =	vmul.f32 $1.131370830e+01, v0  }
0xbd: {  	[tilespmem:s31+$0xA0] =	vst v6;
	v1 =	vmul.f32 $1.131370830e+01, v1  }
0xbe: {  	[tilespmem:s31+$0xB0] =	vst v0;
	v0 =	vmul.f32 $1.131370830e+01, v2  }
0xbf: {  	[tilespmem:s31+$0xC0] =	vst v1;
	v1 =	vmul.f32 $1.131370830e+01, v3  }
0xc0: {  	s0 =	sadd.s32 s30, s7;
	v2 =	vmul.f32 $1.131370830e+01, v4;
	[tilespmem:s31+$0xD0] =	vst v0  }
0xc1: {  	s0 =	sshrl.u32 s0, $0x3;
	[tilespmem:s31+$0xE0] =	vst v1  }
0xc2: {  	p0 =	seq.s32 s28, $0x31;
	s0 =	sadd.s32 s3, s0;
	[tilespmem:s31+$0xFFFFFF00] =	vst v2  }
0xc3: {  	[hbm4b:s0+s4] =	stream.linear.scatter [tilespmem:s13], [sflag:$0x6], $0x4000, $0x38;
	[tilespmem:$0x16400] =	vst v63  }
0xc4: {  	s0 =	simm.s32 @!p0 $0x5  }
0xc5: {  	s1 =	sshll.u32 @!p0 s28, $0x9;
	_ =	swait.ge @!p0 [sflag:s0], $0x4000  }
0xc6: {  	s14 =	simm.s32 @!p0 $0x6400;
	s31 =	sand.u32 @!p0 $0x3FFFFE00, s1;
	[sflag:s0] =	ssyncset.done @!p0 $0x0  }
0xc7: {  	s1 =	simm.s32 @!p0 $0x80;
	[sflag:s0] =	ssyncadd.s32 @!p0 $0xFFFFC000;
	s0 =	sadd.s32 @!p0 $0x200, s31  }
0xc8: {  	[tilespmem:s14], [sflag:$0x1] =	stream.indirect.gather @!p0 [hbm4b:s2+s1], $0x80, s0, s1, $0xb8;
	[tilespmem:$0x16400] =	vst v63  }
0xc9: {  	_ =	swait.ge [sflag:s20], $0x4000  }
0xca: {  	[sflag:s20] =	ssyncset.done $0x0  }
0xcb: {  	s1 =	simm.s32 $0xE500;
	[sflag:s20] =	ssyncadd.s32 $0xFFFFC000  }
0xcc: {  	v0 =	vld [tilespmem:s1+$0xF0]  }
0xcd: {  	v1 =	vld [tilespmem:s1+$0xFFFFFF10]  }
0xce: {  	v2 =	vld [tilespmem:s1+$0xFFFFFF20]  }
0xcf: {  	v3 =	vld [tilespmem:s1+$0xFFFFFF30]  }
0xd0: {  	v6 =	vld [tilespmem:s1+$0xFFFFFF60]  }
0xd1: {  	v4 =	vld [tilespmem:s1+$0xFFFFFF40]  }
0xd2: {  	v5 =	vld [tilespmem:s1+$0xFFFFFF50];
	v0 =	vmul.f32 $1.131370830e+01, v0  }
0xd3: {  	v8 =	vld [tilespmem:s1+$0xFFFFFF80];
	v1 =	vmul.f32 $1.131370830e+01, v1  }
0xd4: {  	v7 =	vld [tilespmem:s1+$0xFFFFFF70];
	v2 =	vmul.f32 $1.131370830e+01, v2;
	[tilespmem:s1+$0xF0] =	vst v0  }
0xd5: {  	v6 =	vmul.f32 $1.131370830e+01, v6;
	v0 =	vld [tilespmem:s1+$0xFFFFFF90];
	[tilespmem:s1+$0xFFFFFF10] =	vst v1  }
0xd6: {  	v1 =	vmul.f32 $1.131370830e+01, v3;
	v3 =	vld [tilespmem:s1+$0xFFFFFFA0];
	[tilespmem:s1+$0xFFFFFF20] =	vst v2;
	v2 =	vmul.f32 $1.131370830e+01, v4  }
0xd7: {  	[tilespmem:s1+$0xFFFFFF60] =	vst v6;
	v6 =	vld [tilespmem:s1+$0xFFFFFFF0]  }
0xd8: {  	v4 =	vld [tilespmem:s1+$0xFFFFFFB0];
	[tilespmem:s1+$0xFFFFFF40] =	vst v2;
	v2 =	vmul.f32 $1.131370830e+01, v8  }
0xd9: {  	[tilespmem:s1+$0xFFFFFF30] =	vst v1;
	v1 =	vmul.f32 $1.131370830e+01, v5;
	v5 =	vld [tilespmem:s1+$0xFFFFFFC0]  }
0xda: {  	v8 =	vld [tilespmem:s1+$0xFFFFFFD0];
	[tilespmem:s1+$0xFFFFFF80] =	vst v2;
	v2 =	vmul.f32 $1.131370830e+01, v7  }
0xdb: {  	[tilespmem:s1+$0xFFFFFF50] =	vst v1;
	v1 =	vld [tilespmem:s1+$0xFFFFFFE0];
	v0 =	vmul.f32 $1.131370830e+01, v0  }
0xdc: {  	v7 =	vld [tilespmem:s1+$0x30];
	v6 =	vmul.f32 $1.131370830e+01, v6;
	[tilespmem:s1+$0xFFFFFF70] =	vst v2  }
0xdd: {  	v2 =	vmul.f32 $1.131370830e+01, v3;
	v3 =	vld [tilespmem:s1+$0x0];
	[tilespmem:s1+$0xFFFFFF90] =	vst v0  }
0xde: {  	v0 =	vmul.f32 $1.131370830e+01, v4;
	v4 =	vld [tilespmem:s1+$0x10];
	[tilespmem:s1+$0xFFFFFFF0] =	vst v6  }
0xdf: {  	[tilespmem:s1+$0xFFFFFFA0] =	vst v2;
	v2 =	vmul.f32 $1.131370830e+01, v5;
	v5 =	vld [tilespmem:s1+$0x20]  }
0xe0: {  	v6 =	vld [tilespmem:s1+$0x80];
	[tilespmem:s1+$0xFFFFFFB0] =	vst v0;
	v0 =	vmul.f32 $1.131370830e+01, v8  }
0xe1: {  	v1 =	vmul.f32 $1.131370830e+01, v1;
	[tilespmem:s1+$0xFFFFFFC0] =	vst v2;
	v2 =	vld [tilespmem:s1+$0x40]  }
0xe2: {  	[tilespmem:s1+$0xFFFFFFD0] =	vst v0;
	v0 =	vmul.f32 $1.131370830e+01, v3  }
0xe3: {  	v3 =	vld [tilespmem:s1+$0x50];
	[tilespmem:s1+$0xFFFFFFE0] =	vst v1;
	v4 =	vmul.f32 $1.131370830e+01, v4  }
0xe4: {  	v1 =	vld [tilespmem:s1+$0x60];
	[tilespmem:s1+$0x0] =	vst v0;
	v0 =	vmul.f32 $1.131370830e+01, v5  }
0xe5: {  	v6 =	vmul.f32 $1.131370830e+01, v6;
	v5 =	vld [tilespmem:s1+$0x70];
	[tilespmem:s1+$0x10] =	vst v4  }
0xe6: {  	v4 =	vmul.f32 $1.131370830e+01, v7;
	v7 =	vld [tilespmem:s1+$0x90];
	[tilespmem:s1+$0x20] =	vst v0;
	v0 =	vmul.f32 $1.131370830e+01, v2  }
0xe7: {  	v8 =	vld [tilespmem:s1+$0xA0];
	[tilespmem:s1+$0x80] =	vst v6  }
0xe8: {  	v2 =	vmul.f32 $1.131370830e+01, v3;
	[tilespmem:s1+$0x40] =	vst v0;
	v0 =	vld [tilespmem:s1+$0xB0]  }
0xe9: {  	[tilespmem:s1+$0x30] =	vst v4;
	v3 =	vmul.f32 $1.131370830e+01, v1;
	v1 =	vld [tilespmem:s1+$0xC0]  }
0xea: {  	[tilespmem:s1+$0x50] =	vst v2;
	v4 =	vmul.f32 $1.131370830e+01, v5;
	v2 =	vld [tilespmem:s1+$0xD0]  }
0xeb: {  	[tilespmem:s1+$0x60] =	vst v3;
	v3 =	vld [tilespmem:s1+$0xE0];
	v5 =	vmul.f32 $1.131370830e+01, v7  }
0xec: {  	s0 =	simm.s32 $0x0;
	s14 =	simm.s32 $0xE700;
	v6 =	vmul.f32 $1.131370830e+01, v8;
	[tilespmem:s1+$0x70] =	vst v4;
	v4 =	vld [tilespmem:s1+$0xFFFFFF00]  }
.LBB2_7:
0xed: {  	v7 =	vld [tilespmem:s14+$0xF0];
	s0 =	sadd.s32 $0x4, s0;
	[tilespmem:s1+$0x90] =	vst v5;
	v0 =	vmul.f32 $1.131370830e+01, v0  }
0xee: {  	v5 =	vld [tilespmem:s14+$0xFFFFFF10];
	p1 =	slt.u32 s0, $0x7C;
	[tilespmem:s1+$0xA0] =	vst v6;
	v1 =	vmul.f32 $1.131370830e+01, v1  }
0xef: {  	v6 =	vld [tilespmem:s14+$0xFFFFFF20];
	[tilespmem:s1+$0xB0] =	vst v0;
	v0 =	vmul.f32 $1.131370830e+01, v2  }
0xf0: {  	v2 =	vld [tilespmem:s14+$0xFFFFFF30];
	[tilespmem:s1+$0xC0] =	vst v1;
	v1 =	vmul.f32 $1.131370830e+01, v3  }
0xf1: {  	v3 =	vld [tilespmem:s14+$0xFFFFFF40];
	v4 =	vmul.f32 $1.131370830e+01, v4;
	[tilespmem:s1+$0xD0] =	vst v0  }
0xf2: {  	v0 =	vld [tilespmem:s14+$0xFFFFFF50];
	v7 =	vmul.f32 $1.131370830e+01, v7;
	[tilespmem:s1+$0xE0] =	vst v1  }
0xf3: {  	v1 =	vmul.f32 $1.131370830e+01, v5;
	v5 =	vld [tilespmem:s14+$0xFFFFFF60];
	[tilespmem:s1+$0xFFFFFF00] =	vst v4;
	s1 =	smov.u32 s14  }
0xf4: {  	v4 =	vmul.f32 $1.131370830e+01, v6;
	v6 =	vld [tilespmem:s14+$0xFFFFFF70];
	[tilespmem:s14+$0xF0] =	vst v7  }
0xf5: {  	[tilespmem:s14+$0xFFFFFF10] =	vst v1;
	v1 =	vmul.f32 $1.131370830e+01, v2;
	v2 =	vld [tilespmem:s14+$0xFFFFFF80]  }
0xf6: {  	[tilespmem:s14+$0xFFFFFF20] =	vst v4;
	v3 =	vmul.f32 $1.131370830e+01, v3;
	v4 =	vld [tilespmem:s14+$0xFFFFFF90]  }
0xf7: {  	[tilespmem:s14+$0xFFFFFF30] =	vst v1;
	v0 =	vmul.f32 $1.131370830e+01, v0;
	v1 =	vld [tilespmem:s14+$0xFFFFFFA0]  }
0xf8: {  	[tilespmem:s14+$0xFFFFFF40] =	vst v3;
	v3 =	vmul.f32 $1.131370830e+01, v5;
	v5 =	vld [tilespmem:s14+$0xFFFFFFB0]  }
0xf9: {  	[tilespmem:s14+$0xFFFFFF50] =	vst v0;
	v0 =	vmul.f32 $1.131370830e+01, v6;
	v6 =	vld [tilespmem:s14+$0xFFFFFFC0]  }
0xfa: {  	[tilespmem:s14+$0xFFFFFF60] =	vst v3;
	v2 =	vmul.f32 $1.131370830e+01, v2;
	v3 =	vld [tilespmem:s14+$0xFFFFFFD0]  }
0xfb: {  	[tilespmem:s14+$0xFFFFFF70] =	vst v0;
	v0 =	vmul.f32 $1.131370830e+01, v4;
	v4 =	vld [tilespmem:s14+$0xFFFFFFE0]  }
0xfc: {  	[tilespmem:s14+$0xFFFFFF80] =	vst v2;
	v1 =	vmul.f32 $1.131370830e+01, v1;
	v2 =	vld [tilespmem:s14+$0xFFFFFFF0]  }
0xfd: {  	[tilespmem:s14+$0xFFFFFF90] =	vst v0;
	v0 =	vmul.f32 $1.131370830e+01, v5;
	v5 =	vld [tilespmem:s14+$0x0]  }
0xfe: {  	[tilespmem:s14+$0xFFFFFFA0] =	vst v1;
	v1 =	vmul.f32 $1.131370830e+01, v6;
	v6 =	vld [tilespmem:s14+$0x10]  }
0xff: {  	[tilespmem:s14+$0xFFFFFFB0] =	vst v0;
	v0 =	vmul.f32 $1.131370830e+01, v3;
	v3 =	vld [tilespmem:s14+$0x20]  }
0x100: {  	[tilespmem:s14+$0xFFFFFFC0] =	vst v1;
	v1 =	vmul.f32 $1.131370830e+01, v4;
	v4 =	vld [tilespmem:s14+$0x30]  }
0x101: {  	[tilespmem:s14+$0xFFFFFFD0] =	vst v0;
	v0 =	vmul.f32 $1.131370830e+01, v2;
	v2 =	vld [tilespmem:s14+$0x40]  }
0x102: {  	[tilespmem:s14+$0xFFFFFFE0] =	vst v1;
	v1 =	vmul.f32 $1.131370830e+01, v5;
	v5 =	vld [tilespmem:s14+$0x50]  }
0x103: {  	[tilespmem:s14+$0xFFFFFFF0] =	vst v0;
	v0 =	vmul.f32 $1.131370830e+01, v6;
	v6 =	vld [tilespmem:s14+$0x60]  }
0x104: {  	[tilespmem:s14+$0x0] =	vst v1;
	v1 =	vmul.f32 $1.131370830e+01, v3;
	v3 =	vld [tilespmem:s14+$0x70]  }
0x105: {  	[tilespmem:s14+$0x10] =	vst v0;
	v0 =	vmul.f32 $1.131370830e+01, v4;
	v4 =	vld [tilespmem:s14+$0x80]  }
0x106: {  	[tilespmem:s14+$0x20] =	vst v1;
	v1 =	vmul.f32 $1.131370830e+01, v2;
	v7 =	vld [tilespmem:s14+$0x90]  }
0x107: {  	[tilespmem:s14+$0x30] =	vst v0;
	v2 =	vmul.f32 $1.131370830e+01, v5;
	v8 =	vld [tilespmem:s14+$0xA0]  }
.Ltmp4:
0x108: {  	[tilespmem:s14+$0x40] =	vst v1;
	v5 =	vmul.f32 $1.131370830e+01, v6;
	v0 =	vld [tilespmem:s14+$0xB0];
	(pc) =	sbr.rel @p1 .LBB2_7-.Ltmp4, $4  }
0x109: {  	[tilespmem:s14+$0x50] =	vst v2;
	v3 =	vmul.f32 $1.131370830e+01, v3;
	v1 =	vld [tilespmem:s14+$0xC0]  }
0x10a: {  	[tilespmem:s14+$0x60] =	vst v5;
	v6 =	vmul.f32 $1.131370830e+01, v4;
	v2 =	vld [tilespmem:s14+$0xD0]  }
0x10b: {  	[tilespmem:s14+$0x70] =	vst v3;
	v5 =	vmul.f32 $1.131370830e+01, v7;
	v3 =	vld [tilespmem:s14+$0xE0]  }
0x10c: {  	s14 =	sadd.s32 $0x200, s14;
	v4 =	vld [tilespmem:s1+$0xFFFFFF00];
	[tilespmem:s1+$0x80] =	vst v6;
	v6 =	vmul.f32 $1.131370830e+01, v8  }
0x10d: {  	[tilespmem:s1+$0x90] =	vst v5;
	v0 =	vmul.f32 $1.131370830e+01, v0  }
0x10e: {  	[tilespmem:s1+$0xA0] =	vst v6;
	v1 =	vmul.f32 $1.131370830e+01, v1  }
0x10f: {  	[tilespmem:s1+$0xB0] =	vst v0;
	v0 =	vmul.f32 $1.131370830e+01, v2  }
0x110: {  	[tilespmem:s1+$0xC0] =	vst v1;
	v1 =	vmul.f32 $1.131370830e+01, v3  }
0x111: {  	s0 =	sadd.s32 s30, s8;
	v2 =	vmul.f32 $1.131370830e+01, v4;
	[tilespmem:s1+$0xD0] =	vst v0  }
0x112: {  	s0 =	sshrl.u32 s0, $0x3;
	[tilespmem:s1+$0xE0] =	vst v1  }
0x113: {  	s0 =	sadd.s32 s3, s0;
	[tilespmem:s1+$0xFFFFFF00] =	vst v2  }
0x114: {  	[hbm4b:s0+s4] =	stream.linear.scatter [tilespmem:s15], [sflag:$0x7], $0x4000, $0x38;
	[tilespmem:$0x16400] =	vst v63  }
0x115: {  	s0 =	simm.s32 @!p0 $0x6  }
0x116: {  	_ =	swait.ge @!p0 [sflag:s0], $0x4000  }
0x117: {  	s14 =	simm.s32 @!p0 $0xA400;
	[sflag:s0] =	ssyncset.done @!p0 $0x0  }
0x118: {  	s1 =	simm.s32 @!p0 $0x80;
	[sflag:s0] =	ssyncadd.s32 @!p0 $0xFFFFC000;
	s0 =	sadd.s32 @!p0 $0x280, s31  }
0x119: {  	[tilespmem:s14], [sflag:$0x2] =	stream.indirect.gather @!p0 [hbm4b:s2+s1], $0x80, s0, s1, $0xb8;
	[tilespmem:$0x16400] =	vst v63  }
0x11a: {  	_ =	swait.ge [sflag:s21], $0x4000  }
0x11b: {  	[sflag:s21] =	ssyncset.done $0x0  }
0x11c: {  	s30 =	simm.s32 $0x12500;
	[sflag:s21] =	ssyncadd.s32 $0xFFFFC000  }
0x11d: {  	v0 =	vld [tilespmem:s30+$0xF0]  }
0x11e: {  	v1 =	vld [tilespmem:s30+$0xFFFFFF10]  }
0x11f: {  	v2 =	vld [tilespmem:s30+$0xFFFFFF20]  }
0x120: {  	v3 =	vld [tilespmem:s30+$0xFFFFFF30]  }
0x121: {  	v6 =	vld [tilespmem:s30+$0xFFFFFF60]  }
0x122: {  	v4 =	vld [tilespmem:s30+$0xFFFFFF40]  }
0x123: {  	v5 =	vld [tilespmem:s30+$0xFFFFFF50];
	v0 =	vmul.f32 $1.131370830e+01, v0  }
0x124: {  	v8 =	vld [tilespmem:s30+$0xFFFFFF80];
	v1 =	vmul.f32 $1.131370830e+01, v1  }
0x125: {  	v7 =	vld [tilespmem:s30+$0xFFFFFF70];
	v2 =	vmul.f32 $1.131370830e+01, v2;
	[tilespmem:s30+$0xF0] =	vst v0  }
0x126: {  	v6 =	vmul.f32 $1.131370830e+01, v6;
	v0 =	vld [tilespmem:s30+$0xFFFFFF90];
	[tilespmem:s30+$0xFFFFFF10] =	vst v1  }
0x127: {  	v1 =	vmul.f32 $1.131370830e+01, v3;
	v3 =	vld [tilespmem:s30+$0xFFFFFFA0];
	[tilespmem:s30+$0xFFFFFF20] =	vst v2;
	v2 =	vmul.f32 $1.131370830e+01, v4  }
0x128: {  	[tilespmem:s30+$0xFFFFFF60] =	vst v6;
	v6 =	vld [tilespmem:s30+$0xFFFFFFF0]  }
0x129: {  	v4 =	vld [tilespmem:s30+$0xFFFFFFB0];
	[tilespmem:s30+$0xFFFFFF40] =	vst v2;
	v2 =	vmul.f32 $1.131370830e+01, v8  }
0x12a: {  	[tilespmem:s30+$0xFFFFFF30] =	vst v1;
	v1 =	vmul.f32 $1.131370830e+01, v5;
	v5 =	vld [tilespmem:s30+$0xFFFFFFC0]  }
0x12b: {  	v8 =	vld [tilespmem:s30+$0xFFFFFFD0];
	[tilespmem:s30+$0xFFFFFF80] =	vst v2;
	v2 =	vmul.f32 $1.131370830e+01, v7  }
0x12c: {  	[tilespmem:s30+$0xFFFFFF50] =	vst v1;
	v1 =	vld [tilespmem:s30+$0xFFFFFFE0];
	v0 =	vmul.f32 $1.131370830e+01, v0  }
0x12d: {  	v7 =	vld [tilespmem:s30+$0x30];
	v6 =	vmul.f32 $1.131370830e+01, v6;
	[tilespmem:s30+$0xFFFFFF70] =	vst v2  }
0x12e: {  	v2 =	vmul.f32 $1.131370830e+01, v3;
	v3 =	vld [tilespmem:s30+$0x0];
	[tilespmem:s30+$0xFFFFFF90] =	vst v0  }
0x12f: {  	v0 =	vmul.f32 $1.131370830e+01, v4;
	v4 =	vld [tilespmem:s30+$0x10];
	[tilespmem:s30+$0xFFFFFFF0] =	vst v6  }
0x130: {  	[tilespmem:s30+$0xFFFFFFA0] =	vst v2;
	v2 =	vmul.f32 $1.131370830e+01, v5;
	v5 =	vld [tilespmem:s30+$0x20]  }
0x131: {  	v6 =	vld [tilespmem:s30+$0x80];
	[tilespmem:s30+$0xFFFFFFB0] =	vst v0;
	v0 =	vmul.f32 $1.131370830e+01, v8  }
0x132: {  	v1 =	vmul.f32 $1.131370830e+01, v1;
	[tilespmem:s30+$0xFFFFFFC0] =	vst v2;
	v2 =	vld [tilespmem:s30+$0x40]  }
0x133: {  	[tilespmem:s30+$0xFFFFFFD0] =	vst v0;
	v0 =	vmul.f32 $1.131370830e+01, v3  }
0x134: {  	v3 =	vld [tilespmem:s30+$0x50];
	[tilespmem:s30+$0xFFFFFFE0] =	vst v1;
	v4 =	vmul.f32 $1.131370830e+01, v4  }
0x135: {  	v1 =	vld [tilespmem:s30+$0x60];
	[tilespmem:s30+$0x0] =	vst v0;
	v0 =	vmul.f32 $1.131370830e+01, v5  }
0x136: {  	v6 =	vmul.f32 $1.131370830e+01, v6;
	v5 =	vld [tilespmem:s30+$0x70];
	[tilespmem:s30+$0x10] =	vst v4  }
0x137: {  	v4 =	vmul.f32 $1.131370830e+01, v7;
	v7 =	vld [tilespmem:s30+$0x90];
	[tilespmem:s30+$0x20] =	vst v0;
	v0 =	vmul.f32 $1.131370830e+01, v2  }
0x138: {  	v8 =	vld [tilespmem:s30+$0xA0];
	[tilespmem:s30+$0x80] =	vst v6  }
0x139: {  	v2 =	vmul.f32 $1.131370830e+01, v3;
	[tilespmem:s30+$0x40] =	vst v0;
	v0 =	vld [tilespmem:s30+$0xB0]  }
0x13a: {  	[tilespmem:s30+$0x30] =	vst v4;
	v3 =	vmul.f32 $1.131370830e+01, v1;
	v1 =	vld [tilespmem:s30+$0xC0]  }
0x13b: {  	[tilespmem:s30+$0x50] =	vst v2;
	v4 =	vmul.f32 $1.131370830e+01, v5;
	v2 =	vld [tilespmem:s30+$0xD0]  }
0x13c: {  	[tilespmem:s30+$0x60] =	vst v3;
	v3 =	vld [tilespmem:s30+$0xE0];
	v5 =	vmul.f32 $1.131370830e+01, v7  }
0x13d: {  	s0 =	simm.s32 $0x0;
	s1 =	simm.s32 $0x12700;
	v6 =	vmul.f32 $1.131370830e+01, v8;
	[tilespmem:s30+$0x70] =	vst v4;
	v4 =	vld [tilespmem:s30+$0xFFFFFF00]  }
.LBB2_9:
0x13e: {  	v7 =	vld [tilespmem:s1+$0xF0];
	s0 =	sadd.s32 $0x4, s0;
	[tilespmem:s30+$0x90] =	vst v5;
	v0 =	vmul.f32 $1.131370830e+01, v0  }
0x13f: {  	v5 =	vld [tilespmem:s1+$0xFFFFFF10];
	p1 =	slt.u32 s0, $0x7C;
	[tilespmem:s30+$0xA0] =	vst v6;
	v1 =	vmul.f32 $1.131370830e+01, v1  }
0x140: {  	v6 =	vld [tilespmem:s1+$0xFFFFFF20];
	[tilespmem:s30+$0xB0] =	vst v0;
	v0 =	vmul.f32 $1.131370830e+01, v2  }
0x141: {  	v2 =	vld [tilespmem:s1+$0xFFFFFF30];
	[tilespmem:s30+$0xC0] =	vst v1;
	v1 =	vmul.f32 $1.131370830e+01, v3  }
0x142: {  	v3 =	vld [tilespmem:s1+$0xFFFFFF40];
	v4 =	vmul.f32 $1.131370830e+01, v4;
	[tilespmem:s30+$0xD0] =	vst v0  }
0x143: {  	v0 =	vld [tilespmem:s1+$0xFFFFFF50];
	v7 =	vmul.f32 $1.131370830e+01, v7;
	[tilespmem:s30+$0xE0] =	vst v1  }
0x144: {  	v1 =	vmul.f32 $1.131370830e+01, v5;
	v5 =	vld [tilespmem:s1+$0xFFFFFF60];
	[tilespmem:s30+$0xFFFFFF00] =	vst v4;
	s30 =	smov.u32 s1  }
0x145: {  	v4 =	vmul.f32 $1.131370830e+01, v6;
	v6 =	vld [tilespmem:s1+$0xFFFFFF70];
	[tilespmem:s1+$0xF0] =	vst v7  }
0x146: {  	[tilespmem:s1+$0xFFFFFF10] =	vst v1;
	v1 =	vmul.f32 $1.131370830e+01, v2;
	v2 =	vld [tilespmem:s1+$0xFFFFFF80]  }
0x147: {  	[tilespmem:s1+$0xFFFFFF20] =	vst v4;
	v3 =	vmul.f32 $1.131370830e+01, v3;
	v4 =	vld [tilespmem:s1+$0xFFFFFF90]  }
0x148: {  	[tilespmem:s1+$0xFFFFFF30] =	vst v1;
	v0 =	vmul.f32 $1.131370830e+01, v0;
	v1 =	vld [tilespmem:s1+$0xFFFFFFA0]  }
0x149: {  	[tilespmem:s1+$0xFFFFFF40] =	vst v3;
	v3 =	vmul.f32 $1.131370830e+01, v5;
	v5 =	vld [tilespmem:s1+$0xFFFFFFB0]  }
0x14a: {  	[tilespmem:s1+$0xFFFFFF50] =	vst v0;
	v0 =	vmul.f32 $1.131370830e+01, v6;
	v6 =	vld [tilespmem:s1+$0xFFFFFFC0]  }
0x14b: {  	[tilespmem:s1+$0xFFFFFF60] =	vst v3;
	v2 =	vmul.f32 $1.131370830e+01, v2;
	v3 =	vld [tilespmem:s1+$0xFFFFFFD0]  }
0x14c: {  	[tilespmem:s1+$0xFFFFFF70] =	vst v0;
	v0 =	vmul.f32 $1.131370830e+01, v4;
	v4 =	vld [tilespmem:s1+$0xFFFFFFE0]  }
0x14d: {  	[tilespmem:s1+$0xFFFFFF80] =	vst v2;
	v1 =	vmul.f32 $1.131370830e+01, v1;
	v2 =	vld [tilespmem:s1+$0xFFFFFFF0]  }
0x14e: {  	[tilespmem:s1+$0xFFFFFF90] =	vst v0;
	v0 =	vmul.f32 $1.131370830e+01, v5;
	v5 =	vld [tilespmem:s1+$0x0]  }
0x14f: {  	[tilespmem:s1+$0xFFFFFFA0] =	vst v1;
	v1 =	vmul.f32 $1.131370830e+01, v6;
	v6 =	vld [tilespmem:s1+$0x10]  }
0x150: {  	[tilespmem:s1+$0xFFFFFFB0] =	vst v0;
	v0 =	vmul.f32 $1.131370830e+01, v3;
	v3 =	vld [tilespmem:s1+$0x20]  }
0x151: {  	[tilespmem:s1+$0xFFFFFFC0] =	vst v1;
	v1 =	vmul.f32 $1.131370830e+01, v4;
	v4 =	vld [tilespmem:s1+$0x30]  }
0x152: {  	[tilespmem:s1+$0xFFFFFFD0] =	vst v0;
	v0 =	vmul.f32 $1.131370830e+01, v2;
	v2 =	vld [tilespmem:s1+$0x40]  }
0x153: {  	[tilespmem:s1+$0xFFFFFFE0] =	vst v1;
	v1 =	vmul.f32 $1.131370830e+01, v5;
	v5 =	vld [tilespmem:s1+$0x50]  }
0x154: {  	[tilespmem:s1+$0xFFFFFFF0] =	vst v0;
	v0 =	vmul.f32 $1.131370830e+01, v6;
	v6 =	vld [tilespmem:s1+$0x60]  }
0x155: {  	[tilespmem:s1+$0x0] =	vst v1;
	v1 =	vmul.f32 $1.131370830e+01, v3;
	v3 =	vld [tilespmem:s1+$0x70]  }
0x156: {  	[tilespmem:s1+$0x10] =	vst v0;
	v0 =	vmul.f32 $1.131370830e+01, v4;
	v4 =	vld [tilespmem:s1+$0x80]  }
0x157: {  	[tilespmem:s1+$0x20] =	vst v1;
	v1 =	vmul.f32 $1.131370830e+01, v2;
	v7 =	vld [tilespmem:s1+$0x90]  }
0x158: {  	[tilespmem:s1+$0x30] =	vst v0;
	v2 =	vmul.f32 $1.131370830e+01, v5;
	v8 =	vld [tilespmem:s1+$0xA0]  }
.Ltmp5:
0x159: {  	[tilespmem:s1+$0x40] =	vst v1;
	v5 =	vmul.f32 $1.131370830e+01, v6;
	v0 =	vld [tilespmem:s1+$0xB0];
	(pc) =	sbr.rel @p1 .LBB2_9-.Ltmp5, $4  }
0x15a: {  	[tilespmem:s1+$0x50] =	vst v2;
	v3 =	vmul.f32 $1.131370830e+01, v3;
	v1 =	vld [tilespmem:s1+$0xC0]  }
0x15b: {  	[tilespmem:s1+$0x60] =	vst v5;
	v6 =	vmul.f32 $1.131370830e+01, v4;
	v2 =	vld [tilespmem:s1+$0xD0]  }
0x15c: {  	[tilespmem:s1+$0x70] =	vst v3;
	v5 =	vmul.f32 $1.131370830e+01, v7;
	v3 =	vld [tilespmem:s1+$0xE0]  }
0x15d: {  	s1 =	sadd.s32 $0x200, s1;
	v4 =	vld [tilespmem:s30+$0xFFFFFF00];
	[tilespmem:s30+$0x80] =	vst v6;
	v6 =	vmul.f32 $1.131370830e+01, v8  }
0x15e: {  	[tilespmem:s30+$0x90] =	vst v5;
	v0 =	vmul.f32 $1.131370830e+01, v0  }
0x15f: {  	[tilespmem:s30+$0xA0] =	vst v6;
	v1 =	vmul.f32 $1.131370830e+01, v1  }
0x160: {  	[tilespmem:s30+$0xB0] =	vst v0;
	v61 =	vmul.f32 $1.131370830e+01, v2  }
.Ltmp6:
0x161: {  	s0 =	sshll.u32 s29, $0xE;
	[tilespmem:s30+$0xC0] =	vst v1;
	v62 =	vmul.f32 $1.131370830e+01, v3;
	(pc) =	sbr.rel @p0 .LBB2_12-.Ltmp6, $4  }
0x162: {  	s0 =	sadd.s32 s5, s0;
	v63 =	vmul.f32 $1.131370830e+01, v4;
	[tilespmem:s30+$0xD0] =	vst v61  }
0x163: {  	s0 =	sshrl.u32 s0, $0x3;
	[tilespmem:s30+$0xE0] =	vst v62  }
0x164: {  	s0 =	sadd.s32 s3, s0;
	[tilespmem:s30+$0xFFFFFF00] =	vst v63  }
0x165: {  	[hbm4b:s0+s4] =	stream.linear.scatter [tilespmem:s17], [sflag:$0x8], $0x4000, $0x38;
	[tilespmem:$0x16400] =	vst v63  }
.Ltmp7:
0x166: {  	(pc) =	sbr.rel .LBB2_2-.Ltmp7, $4  }
0x167: {  	_ =	swait.ge [sflag:s24], $0x4000;
	s0 =	sshll.u32 s28, $0x9  }
0x168: {  	[sflag:s24] =	ssyncset.done $0x0;
	s0 =	sand.u32 $0x3FFFFE00, s0  }
0x169: {  	s28 =	sadd.s32 $0x1, s28;
	[sflag:s24] =	ssyncadd.s32 $0xFFFFC000;
	s0 =	sadd.s32 $0x300, s0  }
0x16a: {  	[tilespmem:s15], [sflag:$0x3] =	stream.indirect.gather [hbm4b:s2+s11], $0x80, s0, s11, $0xb8;
	[tilespmem:$0x16400] =	vst v63  }
.LBB2_13:
0x16b: {  	_ =	sfence.sel $0x180000  }
0x16c: {  	[bflag:$0x0] =	sbarrier.arrive $0xFFFF  }
0x16d: {  	_ =	strace $0x90000047  }
0x16e: {  	s0 =	stileid.u32;
	[bflag:$0x2] =	sbarrier.arrive $0xFFFF  }
0x16f: {  	p0 =	sne.s32 s0, $0x0;
	s0 =	rddreg [dreg:$0x3]  }
0x170: {  	s0 =	sadd.s32 @!p0 $0x100000, s0  }
0x171: {  	[sflag:s0] =	ssyncadd.tile.s32 @!p0 $0x1;
	_ =	shalt  }
.Lfunc_end2:
_tile_overlayer_lowered:
.L_overlay_start_2:
0x172: {  	(tag) =	ssettag $0x2  }
0x173: {  	s0 =	rddreg [dreg:$0x0];
	s2 =	stileid.u32  }
0x174: {  	s1 =	rddreg [dreg:$0x1];
	p0 =	sne.s32 s2, $0x0  }
0x175: {  	s3 =	rddreg [dreg:$0x2];
	[bflag:$0x3] =	sbarrier.arrive $0xFFFF;
	s2 =	simm.s32 @!p0 $0x1C09  }
0x176: {  	[timem:s3], [sflag:s2] =	dma.local @!p0 [hbm:s0], s1  }
0x177: {  	s0 =	simm.s32 @!p0 $0x9  }
0x178: {  	_ =	swait.ge @!p0 [sflag:s0], s1  }
0x179: {  	s1 =	ssub.s32 @!p0 $0x0, s1;
	[sflag:s0] =	ssyncset.done @!p0 $0x0  }
0x17a: {  	[sflag:s0] =	ssyncadd.s32 @!p0 s1  }
0x17b: {  	[bflag:$0x3] =	sbarrier.arrive $0xFFFF  }
0x17c: {  	_ =	shalt  }

</sc_bundles>
